<compile_context>
chip_gen: v7x
topology: tpu7x:2x2x1
jax: 0.10.2.dev20260603
libtpu: 0.0.44.dev20260713+nightly
codegen_flags: <defaults>
</compile_context>

<pallas_src>
import functools

import jax
import jax.numpy as jnp
from jax import lax
from jax.experimental import pallas as pl
from jax.experimental.pallas import tpu as pltpu
from jax.experimental.pallas import tpu_sc as plsc

NUM_CORES = 2
NUM_SUBCORES = 16
NW = NUM_CORES * NUM_SUBCORES
LANES = 16


@functools.lru_cache(maxsize=None)
def _make_embed(n_rows, vocab, maxlen, embed, chunk_rows, interpret=False):
    assert n_rows % (NW * chunk_rows) == 0
    assert chunk_rows % maxlen == 0 and chunk_rows % 2 == 0
    assert embed % LANES == 0
    rows_per_w = n_rows // NW
    n_chunks = rows_per_w // chunk_rows
    assert n_chunks % 2 == 0
    reps = chunk_rows // maxlen
    groups = embed // LANES
    mesh = plsc.VectorSubcoreMesh(
        core_axis_name="c", subcore_axis_name="s",
        num_cores=NUM_CORES, num_subcores=NUM_SUBCORES)

    @functools.partial(
        pl.kernel,
        out_type=jax.ShapeDtypeStruct((n_rows, embed), jnp.float32),
        mesh=mesh,
        scratch_types=[
            pltpu.VMEM((rows_per_w,), jnp.int32),
            pltpu.VMEM((chunk_rows, embed), jnp.float32),
            pltpu.VMEM((chunk_rows, embed), jnp.float32),
            pltpu.VMEM((maxlen, embed), jnp.float32),
            pltpu.SemaphoreType.DMA,
            pltpu.SemaphoreType.DMA,
            pltpu.SemaphoreType.DMA,
            pltpu.SemaphoreType.DMA,
        ],
        compiler_params=pltpu.CompilerParams(use_tc_tiling_on_sc=False),
        interpret=interpret,
    )
    def embed_kernel(x_hbm, tok_hbm, pos_hbm, out_hbm, idx_v, rows0, rows1,
                     pos_v, sg0, sg1, so0, so1):
        wid = lax.axis_index("s") * NUM_CORES + lax.axis_index("c")
        base = wid * rows_per_w
        rows = (rows0, rows1)
        sg = (sg0, sg1)
        so = (so0, so1)

        pltpu.sync_copy(pos_hbm, pos_v)
        pltpu.sync_copy(x_hbm.at[pl.ds(base, rows_per_w)], idx_v)

        def gather(g, b):
            pltpu.async_copy(
                tok_hbm.at[idx_v.at[pl.ds(g * chunk_rows, chunk_rows)]],
                rows[b], sg[b])

        def wait_gather(b):
            pltpu.make_async_copy(
                tok_hbm.at[idx_v.at[pl.ds(0, chunk_rows)]], rows[b],
                sg[b]).wait()

        out2d = out_hbm

        def put_out(g, b):
            pltpu.async_copy(
                rows[b],
                out2d.at[pl.ds(base + g * chunk_rows, chunk_rows)],
                so[b])

        def wait_out(b):
            pltpu.make_async_copy(
                rows[b], out2d.at[pl.ds(0, chunk_rows)], so[b]).wait()

        gather(0, 0)

        def step(g, b):
            wait_gather(b)

            @pl.when(g + 1 < n_chunks)
            def _():
                @pl.when(g >= 1)
                def _():
                    wait_out(1 - b)

                gather(g + 1, 1 - b)

            def add_body(s, carry):
                for k in range(groups):
                    sl = pl.ds(k * LANES, LANES)
                    p = pos_v[s, sl]
                    for r in range(reps):
                        j = s + r * maxlen
                        rows[b][j, sl] = rows[b][j, sl] + p
                return carry

            lax.fori_loop(0, maxlen, add_body, 0, unroll=2)
            put_out(g, b)
            return b

        def pair(g0, carry):
            step(g0 * 2, 0)
            step(g0 * 2 + 1, 1)
            return carry

        lax.fori_loop(0, n_chunks // 2, pair, 0)
        wait_out(0)
        wait_out(1)

    return embed_kernel


def kernel(x, token_table, pos_table):
    batch, seq = x.shape
    vocab, embed = token_table.shape
    maxlen = pos_table.shape[0]
    n_rows = batch * seq
    chunk_rows = 2 * maxlen
    fn = _make_embed(n_rows, vocab, maxlen, embed, chunk_rows)
    xf = x.reshape(n_rows).astype(jnp.int32)
    out2 = fn(xf, token_table, pos_table)
    return out2.reshape(batch, seq, embed)

# --- scband reference (transcript-rebuilt; emitter-appended) ---
"""Pipeline reference for scband-token-and-position-embedding-8272107012170 (READ-ONLY COPY).

The authoritative reference and input builder live on the scoring server;
editing this copy changes nothing except your own understanding.
"""

import jax, jax.numpy as jnp
import numpy as np

VOCAB = 1000000
MAXLEN = 200
EMBED = 64
BATCH = 4096
SEQ = 200

def setup_inputs(seed: int = 0) -> dict:
    key = jax.random.key(seed)
    k1, k2, k3 = jax.random.split(key, 3)
    x = jax.random.randint(k1, (BATCH, SEQ), 0, VOCAB, dtype=jnp.int64 if jax.config.jax_enable_x64 else jnp.int32)
    token_table = jax.random.normal(k2, (VOCAB, EMBED), dtype=jnp.float32) * 0.05
    pos_table = jax.random.normal(k3, (MAXLEN, EMBED), dtype=jnp.float32) * 0.05
    return {"x": x, "token_table": token_table, "pos_table": pos_table}

def reference(x, token_table, pos_table):
    seq_len = x.shape[1]
    positions = jnp.arange(0, seq_len, 1)
    tok = jnp.take(token_table, x, axis=0)          # [B, S, D]
    pos = jnp.take(pos_table, positions, axis=0)    # [S, D]
    return tok + pos[None, :, :]

if __name__ == "__main__":
    import jax
    _d = setup_inputs()
    print(jax.jit(kernel)(*tuple(_d.values())))

</pallas_src>

<mosaic_0001>
#map = affine_map<(d0, d1) -> (0)>
#map1 = affine_map<(d0, d1) -> (0, 0)>
module attributes {stable_mosaic.version = 14 : i64} {
  func.func @embed_kernel(%arg0: i32, %arg1: i32, %arg2: memref<819200xi32, #tpu.memory_space<hbm>>, %arg3: memref<1000000x64xf32, #tpu.memory_space<hbm>>, %arg4: memref<200x64xf32, #tpu.memory_space<hbm>>, %arg5: memref<819200x64xf32, #tpu.memory_space<hbm>>, %arg6: memref<25600xi32, #tpu.memory_space<vmem>>, %arg7: memref<400x64xf32, #tpu.memory_space<vmem>>, %arg8: memref<400x64xf32, #tpu.memory_space<vmem>>, %arg9: memref<200x64xf32, #tpu.memory_space<vmem>>, %arg10: memref<!tpu.dma_semaphore, #tpu.memory_space<semaphore_mem>>, %arg11: memref<!tpu.dma_semaphore, #tpu.memory_space<semaphore_mem>>, %arg12: memref<!tpu.dma_semaphore, #tpu.memory_space<semaphore_mem>>, %arg13: memref<!tpu.dma_semaphore, #tpu.memory_space<semaphore_mem>>) attributes {dimension_semantics = [#tpu.dimension_semantics<core_parallel>, #tpu.dimension_semantics<subcore_parallel>], iteration_bounds = array<i64: 2, 16>, scalar_prefetch = 0 : i64, scratch_operands = 8 : i64, tpu.core_type = #tpu.core_type<sc_vector_subcore>, window_params = [{transform_indices = #map}, {transform_indices = #map1}, {transform_indices = #map1}, {transform_indices = #map1}]} {
    %mul3A = arith.constant 2 : i32
    %mul3A_0 = arith.muli %arg1, %mul3A : i32
    %add3A = arith.addi %mul3A_0, %arg0 : i32
    %mul3A_1 = arith.constant 25600 : i32
    %mul3A_2 = arith.muli %add3A, %mul3A_1 : i32
    "tpu.region"() ({
      %run_scoped3A = tpu.sem_alloc : memref<!tpu.dma_semaphore, #tpu.memory_space<semaphore_mem>>
      tpu.enqueue_dma source(%arg4 : memref<200x64xf32, #tpu.memory_space<hbm>>) target(%arg9 : memref<200x64xf32, #tpu.memory_space<vmem>>) target_semaphore(%run_scoped3A : memref<!tpu.dma_semaphore, #tpu.memory_space<semaphore_mem>>)
      tpu.wait_dma2 semaphore(%run_scoped3A : memref<!tpu.dma_semaphore, #tpu.memory_space<semaphore_mem>>) src(%arg4 : memref<200x64xf32, #tpu.memory_space<hbm>>) dst(%arg9 : memref<200x64xf32, #tpu.memory_space<vmem>>)
      tpu.yield
    }) : () -> ()
    "tpu.region"() ({
      %run_scoped3A = tpu.sem_alloc : memref<!tpu.dma_semaphore, #tpu.memory_space<semaphore_mem>>
      %dma_start3A_23 = tpu.memref_slice %arg2[%mul3A_2] : memref<819200xi32, #tpu.memory_space<hbm>> -> memref<25600xi32, #tpu.memory_space<hbm>>
      %dma_start3A_24 = tpu.memref_slice %arg2[%mul3A_2] : memref<819200xi32, #tpu.memory_space<hbm>> -> memref<25600xi32, #tpu.memory_space<hbm>>
      tpu.enqueue_dma source(%dma_start3A_24 : memref<25600xi32, #tpu.memory_space<hbm>>) target(%arg6 : memref<25600xi32, #tpu.memory_space<vmem>>) target_semaphore(%run_scoped3A : memref<!tpu.dma_semaphore, #tpu.memory_space<semaphore_mem>>)
      %dma_wait3A_25 = tpu.memref_slice %arg2[%mul3A_2] : memref<819200xi32, #tpu.memory_space<hbm>> -> memref<25600xi32, #tpu.memory_space<hbm>>
      %dma_wait3A_26 = tpu.memref_slice %arg2[%mul3A_2] : memref<819200xi32, #tpu.memory_space<hbm>> -> memref<25600xi32, #tpu.memory_space<hbm>>
      tpu.wait_dma2 semaphore(%run_scoped3A : memref<!tpu.dma_semaphore, #tpu.memory_space<semaphore_mem>>) src(%dma_wait3A_26 : memref<25600xi32, #tpu.memory_space<hbm>>) dst(%arg6 : memref<25600xi32, #tpu.memory_space<vmem>>)
      tpu.yield
    }) : () -> ()
    %dma_start3A = arith.constant 0 : i32
    %dma_start3A_3 = tpu.memref_slice %arg6[%dma_start3A] : memref<25600xi32, #tpu.memory_space<vmem>> -> memref<400xi32, #tpu.memory_space<vmem>>
    %dma_start3A_4 = arith.constant 0 : i32
    %dma_start3A_5 = arith.constant 0 : i32
    %dma_start3A_6 = tpu.memref_slice %arg3[%dma_start3A_4, %dma_start3A_5] : memref<1000000x64xf32, #tpu.memory_space<hbm>> -> memref<1000000x64xf32, #tpu.memory_space<hbm>>
    tpu.enqueue_indirect_dma source(%dma_start3A_6 : memref<1000000x64xf32, #tpu.memory_space<hbm>>) target(%arg7 : memref<400x64xf32, #tpu.memory_space<vmem>>) offsets(%dma_start3A_3 : memref<400xi32, #tpu.memory_space<vmem>>) semaphore(%arg10 : memref<!tpu.dma_semaphore, #tpu.memory_space<semaphore_mem>>)
    %scan3A = arith.constant 0 : i32
    %scan3A_7 = arith.constant 0 : i32
    %scan3A_8 = arith.constant 32 : i32
    %scan3A_9 = arith.addi %scan3A_7, %scan3A_8 : i32
    %scan3A_10 = arith.constant 1 : i32
    scf.for %scan3A_23 = %scan3A_7 to %scan3A_9 step %scan3A_10  : i32 {
      %mul3A_24 = arith.constant 2 : i32
      %mul3A_25 = arith.muli %scan3A_23, %mul3A_24 : i32
      %dma_wait3A_26 = arith.constant 0 : i32
      %dma_wait3A_27 = tpu.memref_slice %arg6[%dma_wait3A_26] : memref<25600xi32, #tpu.memory_space<vmem>> -> memref<400xi32, #tpu.memory_space<vmem>>
      %dma_wait3A_28 = arith.constant 0 : i32
      %dma_wait3A_29 = arith.constant 0 : i32
      %dma_wait3A_30 = tpu.memref_slice %arg3[%dma_wait3A_28, %dma_wait3A_29] : memref<1000000x64xf32, #tpu.memory_space<hbm>> -> memref<1000000x64xf32, #tpu.memory_space<hbm>>
      tpu.wait_indirect_dma semaphore(%arg10 : memref<!tpu.dma_semaphore, #tpu.memory_space<semaphore_mem>>) src(%dma_wait3A_30 : memref<1000000x64xf32, #tpu.memory_space<hbm>>) dst(%arg7 : memref<400x64xf32, #tpu.memory_space<vmem>>)
      %add3A_31 = arith.constant 1 : i32
      %add3A_32 = arith.addi %mul3A_25, %add3A_31 : i32
      %lt3A = arith.constant 64 : i32
      %lt3A_33 = arith.cmpi slt, %add3A_32, %lt3A : i32
      %convert_element_type3A = arith.extui %lt3A_33 : i1 to i32
      %cond3A = arith.constant 0 : i32
      %cond3A_34 = arith.cmpi ne, %convert_element_type3A, %cond3A : i32
      scf.if %cond3A_34 {
        %ge3A = arith.constant 1 : i32
        %ge3A_77 = arith.cmpi sge, %mul3A_25, %ge3A : i32
        %convert_element_type3A_78 = arith.extui %ge3A_77 : i1 to i32
        %cond3A_79 = arith.constant 0 : i32
        %cond3A_80 = arith.cmpi ne, %convert_element_type3A_78, %cond3A_79 : i32
        scf.if %cond3A_80 {
          %dma_wait3A_89 = arith.constant 0 : i32
          %dma_wait3A_90 = arith.constant 0 : i32
          %dma_wait3A_91 = tpu.memref_slice %arg5[%dma_wait3A_89, %dma_wait3A_90] : memref<819200x64xf32, #tpu.memory_space<hbm>> -> memref<400x64xf32, #tpu.memory_space<hbm>>
          %dma_wait3A_92 = arith.constant 0 : i32
          %dma_wait3A_93 = arith.constant 0 : i32
          %dma_wait3A_94 = tpu.memref_slice %arg5[%dma_wait3A_92, %dma_wait3A_93] : memref<819200x64xf32, #tpu.memory_space<hbm>> -> memref<400x64xf32, #tpu.memory_space<hbm>>
          tpu.wait_dma2 semaphore(%arg13 : memref<!tpu.dma_semaphore, #tpu.memory_space<semaphore_mem>>) src(%arg8 : memref<400x64xf32, #tpu.memory_space<vmem>>) dst(%dma_wait3A_94 : memref<400x64xf32, #tpu.memory_space<hbm>>)
        } else {
        }
        %add3A_81 = arith.constant 1 : i32
        %add3A_82 = arith.addi %mul3A_25, %add3A_81 : i32
        %mul3A_83 = arith.constant 400 : i32
        %mul3A_84 = arith.muli %add3A_82, %mul3A_83 : i32
        %dma_start3A_85 = tpu.memref_slice %arg6[%mul3A_84] : memref<25600xi32, #tpu.memory_space<vmem>> -> memref<400xi32, #tpu.memory_space<vmem>>
        %dma_start3A_86 = arith.constant 0 : i32
        %dma_start3A_87 = arith.constant 0 : i32
        %dma_start3A_88 = tpu.memref_slice %arg3[%dma_start3A_86, %dma_start3A_87] : memref<1000000x64xf32, #tpu.memory_space<hbm>> -> memref<1000000x64xf32, #tpu.memory_space<hbm>>
        tpu.enqueue_indirect_dma source(%dma_start3A_88 : memref<1000000x64xf32, #tpu.memory_space<hbm>>) target(%arg8 : memref<400x64xf32, #tpu.memory_space<vmem>>) offsets(%dma_start3A_85 : memref<400xi32, #tpu.memory_space<vmem>>) semaphore(%arg11 : memref<!tpu.dma_semaphore, #tpu.memory_space<semaphore_mem>>)
      } else {
      }
      %scan3A_35 = arith.constant 0 : i32
      %scan3A_36 = arith.constant 0 : i32
      %scan3A_37 = arith.constant 200 : i32
      %scan3A_38 = arith.addi %scan3A_36, %scan3A_37 : i32
      %scan3A_39 = arith.constant 2 : i32
      scf.for %scan3A_77 = %scan3A_36 to %scan3A_38 step %scan3A_39  : i32 {
        %get3A = arith.index_cast %scan3A_77 : i32 to index
        %get3A_78 = arith.constant 0 : index
        %get3A_79 = tpu.vector_load %arg9[%get3A, %get3A_78] {strides = array<i32>} : memref<200x64xf32, #tpu.memory_space<vmem>>, vector<1x16xf32>,
        %get3A_80 = vector.shape_cast %get3A_79 : vector<1x16xf32> to vector<16xf32>
        %add3A_81 = arith.constant 0 : i32
        %add3A_82 = arith.addi %scan3A_77, %add3A_81 : i32
        %get3A_83 = arith.index_cast %add3A_82 : i32 to index
        %get3A_84 = arith.constant 0 : index
        %get3A_85 = tpu.vector_load %arg7[%get3A_83, %get3A_84] {strides = array<i32>} : memref<400x64xf32, #tpu.memory_space<vmem>>, vector<1x16xf32>,
        %get3A_86 = vector.shape_cast %get3A_85 : vector<1x16xf32> to vector<16xf32>
        %add3A_87 = arith.addf %get3A_86, %get3A_80 : vector<16xf32>
        %swap3A = arith.index_cast %add3A_82 : i32 to index
        %swap3A_88 = arith.constant 0 : index
        %swap3A_89 = tpu.vector_load %arg7[%swap3A, %swap3A_88] {strides = array<i32>} : memref<400x64xf32, #tpu.memory_space<vmem>>, vector<1x16xf32>,
        %swap3A_90 = vector.shape_cast %swap3A_89 : vector<1x16xf32> to vector<16xf32>
        %swap3A_91 = vector.shape_cast %add3A_87 : vector<16xf32> to vector<1x16xf32>
        tpu.vector_store %arg7[%swap3A, %swap3A_88], %swap3A_91 {strides = array<i32>} : memref<400x64xf32, #tpu.memory_space<vmem>>, vector<1x16xf32>,
        %add3A_92 = arith.constant 200 : i32
        %add3A_93 = arith.addi %scan3A_77, %add3A_92 : i32
        %get3A_94 = arith.index_cast %add3A_93 : i32 to index
        %get3A_95 = arith.constant 0 : index
        %get3A_96 = tpu.vector_load %arg7[%get3A_94, %get3A_95] {strides = array<i32>} : memref<400x64xf32, #tpu.memory_space<vmem>>, vector<1x16xf32>,
        %get3A_97 = vector.shape_cast %get3A_96 : vector<1x16xf32> to vector<16xf32>
        %add3A_98 = arith.addf %get3A_97, %get3A_80 : vector<16xf32>
        %swap3A_99 = arith.index_cast %add3A_93 : i32 to index
        %swap3A_100 = arith.constant 0 : index
        %swap3A_101 = tpu.vector_load %arg7[%swap3A_99, %swap3A_100] {strides = array<i32>} : memref<400x64xf32, #tpu.memory_space<vmem>>, vector<1x16xf32>,
        %swap3A_102 = vector.shape_cast %swap3A_101 : vector<1x16xf32> to vector<16xf32>
        %swap3A_103 = vector.shape_cast %add3A_98 : vector<16xf32> to vector<1x16xf32>
        tpu.vector_store %arg7[%swap3A_99, %swap3A_100], %swap3A_103 {strides = array<i32>} : memref<400x64xf32, #tpu.memory_space<vmem>>, vector<1x16xf32>,
        %get3A_104 = arith.index_cast %scan3A_77 : i32 to index
        %get3A_105 = arith.constant 16 : index
        %get3A_106 = tpu.vector_load %arg9[%get3A_104, %get3A_105] {strides = array<i32>} : memref<200x64xf32, #tpu.memory_space<vmem>>, vector<1x16xf32>,
        %get3A_107 = vector.shape_cast %get3A_106 : vector<1x16xf32> to vector<16xf32>
        %add3A_108 = arith.constant 0 : i32
        %add3A_109 = arith.addi %scan3A_77, %add3A_108 : i32
        %get3A_110 = arith.index_cast %add3A_109 : i32 to index
        %get3A_111 = arith.constant 16 : index
        %get3A_112 = tpu.vector_load %arg7[%get3A_110, %get3A_111] {strides = array<i32>} : memref<400x64xf32, #tpu.memory_space<vmem>>, vector<1x16xf32>,
        %get3A_113 = vector.shape_cast %get3A_112 : vector<1x16xf32> to vector<16xf32>
        %add3A_114 = arith.addf %get3A_113, %get3A_107 : vector<16xf32>
        %swap3A_115 = arith.index_cast %add3A_109 : i32 to index
        %swap3A_116 = arith.constant 16 : index
        %swap3A_117 = tpu.vector_load %arg7[%swap3A_115, %swap3A_116] {strides = array<i32>} : memref<400x64xf32, #tpu.memory_space<vmem>>, vector<1x16xf32>,
        %swap3A_118 = vector.shape_cast %swap3A_117 : vector<1x16xf32> to vector<16xf32>
        %swap3A_119 = vector.shape_cast %add3A_114 : vector<16xf32> to vector<1x16xf32>
        tpu.vector_store %arg7[%swap3A_115, %swap3A_116], %swap3A_119 {strides = array<i32>} : memref<400x64xf32, #tpu.memory_space<vmem>>, vector<1x16xf32>,
        %add3A_120 = arith.constant 200 : i32
        %add3A_121 = arith.addi %scan3A_77, %add3A_120 : i32
        %get3A_122 = arith.index_cast %add3A_121 : i32 to index
        %get3A_123 = arith.constant 16 : index
        %get3A_124 = tpu.vector_load %arg7[%get3A_122, %get3A_123] {strides = array<i32>} : memref<400x64xf32, #tpu.memory_space<vmem>>, vector<1x16xf32>,
        %get3A_125 = vector.shape_cast %get3A_124 : vector<1x16xf32> to vector<16xf32>
        %add3A_126 = arith.addf %get3A_125, %get3A_107 : vector<16xf32>
        %swap3A_127 = arith.index_cast %add3A_121 : i32 to index
        %swap3A_128 = arith.constant 16 : index
        %swap3A_129 = tpu.vector_load %arg7[%swap3A_127, %swap3A_128] {strides = array<i32>} : memref<400x64xf32, #tpu.memory_space<vmem>>, vector<1x16xf32>,
        %swap3A_130 = vector.shape_cast %swap3A_129 : vector<1x16xf32> to vector<16xf32>
        %swap3A_131 = vector.shape_cast %add3A_126 : vector<16xf32> to vector<1x16xf32>
        tpu.vector_store %arg7[%swap3A_127, %swap3A_128], %swap3A_131 {strides = array<i32>} : memref<400x64xf32, #tpu.memory_space<vmem>>, vector<1x16xf32>,
        %get3A_132 = arith.index_cast %scan3A_77 : i32 to index
        %get3A_133 = arith.constant 32 : index
        %get3A_134 = tpu.vector_load %arg9[%get3A_132, %get3A_133] {strides = array<i32>} : memref<200x64xf32, #tpu.memory_space<vmem>>, vector<1x16xf32>,
        %get3A_135 = vector.shape_cast %get3A_134 : vector<1x16xf32> to vector<16xf32>
        %add3A_136 = arith.constant 0 : i32
        %add3A_137 = arith.addi %scan3A_77, %add3A_136 : i32
        %get3A_138 = arith.index_cast %add3A_137 : i32 to index
        %get3A_139 = arith.constant 32 : index
        %get3A_140 = tpu.vector_load %arg7[%get3A_138, %get3A_139] {strides = array<i32>} : memref<400x64xf32, #tpu.memory_space<vmem>>, vector<1x16xf32>,
        %get3A_141 = vector.shape_cast %get3A_140 : vector<1x16xf32> to vector<16xf32>
        %add3A_142 = arith.addf %get3A_141, %get3A_135 : vector<16xf32>
        %swap3A_143 = arith.index_cast %add3A_137 : i32 to index
        %swap3A_144 = arith.constant 32 : index
        %swap3A_145 = tpu.vector_load %arg7[%swap3A_143, %swap3A_144] {strides = array<i32>} : memref<400x64xf32, #tpu.memory_space<vmem>>, vector<1x16xf32>,
        %swap3A_146 = vector.shape_cast %swap3A_145 : vector<1x16xf32> to vector<16xf32>
        %swap3A_147 = vector.shape_cast %add3A_142 : vector<16xf32> to vector<1x16xf32>
        tpu.vector_store %arg7[%swap3A_143, %swap3A_144], %swap3A_147 {strides = array<i32>} : memref<400x64xf32, #tpu.memory_space<vmem>>, vector<1x16xf32>,
        %add3A_148 = arith.constant 200 : i32
        %add3A_149 = arith.addi %scan3A_77, %add3A_148 : i32
        %get3A_150 = arith.index_cast %add3A_149 : i32 to index
        %get3A_151 = arith.constant 32 : index
        %get3A_152 = tpu.vector_load %arg7[%get3A_150, %get3A_151] {strides = array<i32>} : memref<400x64xf32, #tpu.memory_space<vmem>>, vector<1x16xf32>,
        %get3A_153 = vector.shape_cast %get3A_152 : vector<1x16xf32> to vector<16xf32>
        %add3A_154 = arith.addf %get3A_153, %get3A_135 : vector<16xf32>
        %swap3A_155 = arith.index_cast %add3A_149 : i32 to index
        %swap3A_156 = arith.constant 32 : index
        %swap3A_157 = tpu.vector_load %arg7[%swap3A_155, %swap3A_156] {strides = array<i32>} : memref<400x64xf32, #tpu.memory_space<vmem>>, vector<1x16xf32>,
        %swap3A_158 = vector.shape_cast %swap3A_157 : vector<1x16xf32> to vector<16xf32>
        %swap3A_159 = vector.shape_cast %add3A_154 : vector<16xf32> to vector<1x16xf32>
        tpu.vector_store %arg7[%swap3A_155, %swap3A_156], %swap3A_159 {strides = array<i32>} : memref<400x64xf32, #tpu.memory_space<vmem>>, vector<1x16xf32>,
        %get3A_160 = arith.index_cast %scan3A_77 : i32 to index
        %get3A_161 = arith.constant 48 : index
        %get3A_162 = tpu.vector_load %arg9[%get3A_160, %get3A_161] {strides = array<i32>} : memref<200x64xf32, #tpu.memory_space<vmem>>, vector<1x16xf32>,
        %get3A_163 = vector.shape_cast %get3A_162 : vector<1x16xf32> to vector<16xf32>
        %add3A_164 = arith.constant 0 : i32
        %add3A_165 = arith.addi %scan3A_77, %add3A_164 : i32
        %get3A_166 = arith.index_cast %add3A_165 : i32 to index
        %get3A_167 = arith.constant 48 : index
        %get3A_168 = tpu.vector_load %arg7[%get3A_166, %get3A_167] {strides = array<i32>} : memref<400x64xf32, #tpu.memory_space<vmem>>, vector<1x16xf32>,
        %get3A_169 = vector.shape_cast %get3A_168 : vector<1x16xf32> to vector<16xf32>
        %add3A_170 = arith.addf %get3A_169, %get3A_163 : vector<16xf32>
        %swap3A_171 = arith.index_cast %add3A_165 : i32 to index
        %swap3A_172 = arith.constant 48 : index
        %swap3A_173 = tpu.vector_load %arg7[%swap3A_171, %swap3A_172] {strides = array<i32>} : memref<400x64xf32, #tpu.memory_space<vmem>>, vector<1x16xf32>,
        %swap3A_174 = vector.shape_cast %swap3A_173 : vector<1x16xf32> to vector<16xf32>
        %swap3A_175 = vector.shape_cast %add3A_170 : vector<16xf32> to vector<1x16xf32>
        tpu.vector_store %arg7[%swap3A_171, %swap3A_172], %swap3A_175 {strides = array<i32>} : memref<400x64xf32, #tpu.memory_space<vmem>>, vector<1x16xf32>,
        %add3A_176 = arith.constant 200 : i32
        %add3A_177 = arith.addi %scan3A_77, %add3A_176 : i32
        %get3A_178 = arith.index_cast %add3A_177 : i32 to index
        %get3A_179 = arith.constant 48 : index
        %get3A_180 = tpu.vector_load %arg7[%get3A_178, %get3A_179] {strides = array<i32>} : memref<400x64xf32, #tpu.memory_space<vmem>>, vector<1x16xf32>,
        %get3A_181 = vector.shape_cast %get3A_180 : vector<1x16xf32> to vector<16xf32>
        %add3A_182 = arith.addf %get3A_181, %get3A_163 : vector<16xf32>
        %swap3A_183 = arith.index_cast %add3A_177 : i32 to index
        %swap3A_184 = arith.constant 48 : index
        %swap3A_185 = tpu.vector_load %arg7[%swap3A_183, %swap3A_184] {strides = array<i32>} : memref<400x64xf32, #tpu.memory_space<vmem>>, vector<1x16xf32>,
        %swap3A_186 = vector.shape_cast %swap3A_185 : vector<1x16xf32> to vector<16xf32>
        %swap3A_187 = vector.shape_cast %add3A_182 : vector<16xf32> to vector<1x16xf32>
        tpu.vector_store %arg7[%swap3A_183, %swap3A_184], %swap3A_187 {strides = array<i32>} : memref<400x64xf32, #tpu.memory_space<vmem>>, vector<1x16xf32>,
        %scan3A_188 = arith.constant 1 : i32
        %scan3A_189 = arith.addi %scan3A_77, %scan3A_188 : i32
        %get3A_190 = arith.index_cast %scan3A_189 : i32 to index
        %get3A_191 = arith.constant 0 : index
        %get3A_192 = tpu.vector_load %arg9[%get3A_190, %get3A_191] {strides = array<i32>} : memref<200x64xf32, #tpu.memory_space<vmem>>, vector<1x16xf32>,
        %get3A_193 = vector.shape_cast %get3A_192 : vector<1x16xf32> to vector<16xf32>
        %add3A_194 = arith.constant 0 : i32
        %add3A_195 = arith.addi %scan3A_189, %add3A_194 : i32
        %get3A_196 = arith.index_cast %add3A_195 : i32 to index
        %get3A_197 = arith.constant 0 : index
        %get3A_198 = tpu.vector_load %arg7[%get3A_196, %get3A_197] {strides = array<i32>} : memref<400x64xf32, #tpu.memory_space<vmem>>, vector<1x16xf32>,
        %get3A_199 = vector.shape_cast %get3A_198 : vector<1x16xf32> to vector<16xf32>
        %add3A_200 = arith.addf %get3A_199, %get3A_193 : vector<16xf32>
        %swap3A_201 = arith.index_cast %add3A_195 : i32 to index
        %swap3A_202 = arith.constant 0 : index
        %swap3A_203 = tpu.vector_load %arg7[%swap3A_201, %swap3A_202] {strides = array<i32>} : memref<400x64xf32, #tpu.memory_space<vmem>>, vector<1x16xf32>,
        %swap3A_204 = vector.shape_cast %swap3A_203 : vector<1x16xf32> to vector<16xf32>
        %swap3A_205 = vector.shape_cast %add3A_200 : vector<16xf32> to vector<1x16xf32>
        tpu.vector_store %arg7[%swap3A_201, %swap3A_202], %swap3A_205 {strides = array<i32>} : memref<400x64xf32, #tpu.memory_space<vmem>>, vector<1x16xf32>,
        %add3A_206 = arith.constant 200 : i32
        %add3A_207 = arith.addi %scan3A_189, %add3A_206 : i32
        %get3A_208 = arith.index_cast %add3A_207 : i32 to index
        %get3A_209 = arith.constant 0 : index
        %get3A_210 = tpu.vector_load %arg7[%get3A_208, %get3A_209] {strides = array<i32>} : memref<400x64xf32, #tpu.memory_space<vmem>>, vector<1x16xf32>,
        %get3A_211 = vector.shape_cast %get3A_210 : vector<1x16xf32> to vector<16xf32>
        %add3A_212 = arith.addf %get3A_211, %get3A_193 : vector<16xf32>
        %swap3A_213 = arith.index_cast %add3A_207 : i32 to index
        %swap3A_214 = arith.constant 0 : index
        %swap3A_215 = tpu.vector_load %arg7[%swap3A_213, %swap3A_214] {strides = array<i32>} : memref<400x64xf32, #tpu.memory_space<vmem>>, vector<1x16xf32>,
        %swap3A_216 = vector.shape_cast %swap3A_215 : vector<1x16xf32> to vector<16xf32>
        %swap3A_217 = vector.shape_cast %add3A_212 : vector<16xf32> to vector<1x16xf32>
        tpu.vector_store %arg7[%swap3A_213, %swap3A_214], %swap3A_217 {strides = array<i32>} : memref<400x64xf32, #tpu.memory_space<vmem>>, vector<1x16xf32>,
        %get3A_218 = arith.index_cast %scan3A_189 : i32 to index
        %get3A_219 = arith.constant 16 : index
        %get3A_220 = tpu.vector_load %arg9[%get3A_218, %get3A_219] {strides = array<i32>} : memref<200x64xf32, #tpu.memory_space<vmem>>, vector<1x16xf32>,
        %get3A_221 = vector.shape_cast %get3A_220 : vector<1x16xf32> to vector<16xf32>
        %add3A_222 = arith.constant 0 : i32
        %add3A_223 = arith.addi %scan3A_189, %add3A_222 : i32
        %get3A_224 = arith.index_cast %add3A_223 : i32 to index
        %get3A_225 = arith.constant 16 : index
        %get3A_226 = tpu.vector_load %arg7[%get3A_224, %get3A_225] {strides = array<i32>} : memref<400x64xf32, #tpu.memory_space<vmem>>, vector<1x16xf32>,
        %get3A_227 = vector.shape_cast %get3A_226 : vector<1x16xf32> to vector<16xf32>
        %add3A_228 = arith.addf %get3A_227, %get3A_221 : vector<16xf32>
        %swap3A_229 = arith.index_cast %add3A_223 : i32 to index
        %swap3A_230 = arith.constant 16 : index
        %swap3A_231 = tpu.vector_load %arg7[%swap3A_229, %swap3A_230] {strides = array<i32>} : memref<400x64xf32, #tpu.memory_space<vmem>>, vector<1x16xf32>,
        %swap3A_232 = vector.shape_cast %swap3A_231 : vector<1x16xf32> to vector<16xf32>
        %swap3A_233 = vector.shape_cast %add3A_228 : vector<16xf32> to vector<1x16xf32>
        tpu.vector_store %arg7[%swap3A_229, %swap3A_230], %swap3A_233 {strides = array<i32>} : memref<400x64xf32, #tpu.memory_space<vmem>>, vector<1x16xf32>,
        %add3A_234 = arith.constant 200 : i32
        %add3A_235 = arith.addi %scan3A_189, %add3A_234 : i32
        %get3A_236 = arith.index_cast %add3A_235 : i32 to index
        %get3A_237 = arith.constant 16 : index
        %get3A_238 = tpu.vector_load %arg7[%get3A_236, %get3A_237] {strides = array<i32>} : memref<400x64xf32, #tpu.memory_space<vmem>>, vector<1x16xf32>,
        %get3A_239 = vector.shape_cast %get3A_238 : vector<1x16xf32> to vector<16xf32>
        %add3A_240 = arith.addf %get3A_239, %get3A_221 : vector<16xf32>
        %swap3A_241 = arith.index_cast %add3A_235 : i32 to index
        %swap3A_242 = arith.constant 16 : index
        %swap3A_243 = tpu.vector_load %arg7[%swap3A_241, %swap3A_242] {strides = array<i32>} : memref<400x64xf32, #tpu.memory_space<vmem>>, vector<1x16xf32>,
        %swap3A_244 = vector.shape_cast %swap3A_243 : vector<1x16xf32> to vector<16xf32>
        %swap3A_245 = vector.shape_cast %add3A_240 : vector<16xf32> to vector<1x16xf32>
        tpu.vector_store %arg7[%swap3A_241, %swap3A_242], %swap3A_245 {strides = array<i32>} : memref<400x64xf32, #tpu.memory_space<vmem>>, vector<1x16xf32>,
        %get3A_246 = arith.index_cast %scan3A_189 : i32 to index
        %get3A_247 = arith.constant 32 : index
        %get3A_248 = tpu.vector_load %arg9[%get3A_246, %get3A_247] {strides = array<i32>} : memref<200x64xf32, #tpu.memory_space<vmem>>, vector<1x16xf32>,
        %get3A_249 = vector.shape_cast %get3A_248 : vector<1x16xf32> to vector<16xf32>
        %add3A_250 = arith.constant 0 : i32
        %add3A_251 = arith.addi %scan3A_189, %add3A_250 : i32
        %get3A_252 = arith.index_cast %add3A_251 : i32 to index
        %get3A_253 = arith.constant 32 : index
        %get3A_254 = tpu.vector_load %arg7[%get3A_252, %get3A_253] {strides = array<i32>} : memref<400x64xf32, #tpu.memory_space<vmem>>, vector<1x16xf32>,
        %get3A_255 = vector.shape_cast %get3A_254 : vector<1x16xf32> to vector<16xf32>
        %add3A_256 = arith.addf %get3A_255, %get3A_249 : vector<16xf32>
        %swap3A_257 = arith.index_cast %add3A_251 : i32 to index
        %swap3A_258 = arith.constant 32 : index
        %swap3A_259 = tpu.vector_load %arg7[%swap3A_257, %swap3A_258] {strides = array<i32>} : memref<400x64xf32, #tpu.memory_space<vmem>>, vector<1x16xf32>,
        %swap3A_260 = vector.shape_cast %swap3A_259 : vector<1x16xf32> to vector<16xf32>
        %swap3A_261 = vector.shape_cast %add3A_256 : vector<16xf32> to vector<1x16xf32>
        tpu.vector_store %arg7[%swap3A_257, %swap3A_258], %swap3A_261 {strides = array<i32>} : memref<400x64xf32, #tpu.memory_space<vmem>>, vector<1x16xf32>,
        %add3A_262 = arith.constant 200 : i32
        %add3A_263 = arith.addi %scan3A_189, %add3A_262 : i32
        %get3A_264 = arith.index_cast %add3A_263 : i32 to index
        %get3A_265 = arith.constant 32 : index
        %get3A_266 = tpu.vector_load %arg7[%get3A_264, %get3A_265] {strides = array<i32>} : memref<400x64xf32, #tpu.memory_space<vmem>>, vector<1x16xf32>,
        %get3A_267 = vector.shape_cast %get3A_266 : vector<1x16xf32> to vector<16xf32>
        %add3A_268 = arith.addf %get3A_267, %get3A_249 : vector<16xf32>
        %swap3A_269 = arith.index_cast %add3A_263 : i32 to index
        %swap3A_270 = arith.constant 32 : index
        %swap3A_271 = tpu.vector_load %arg7[%swap3A_269, %swap3A_270] {strides = array<i32>} : memref<400x64xf32, #tpu.memory_space<vmem>>, vector<1x16xf32>,
        %swap3A_272 = vector.shape_cast %swap3A_271 : vector<1x16xf32> to vector<16xf32>
        %swap3A_273 = vector.shape_cast %add3A_268 : vector<16xf32> to vector<1x16xf32>
        tpu.vector_store %arg7[%swap3A_269, %swap3A_270], %swap3A_273 {strides = array<i32>} : memref<400x64xf32, #tpu.memory_space<vmem>>, vector<1x16xf32>,
        %get3A_274 = arith.index_cast %scan3A_189 : i32 to index
        %get3A_275 = arith.constant 48 : index
        %get3A_276 = tpu.vector_load %arg9[%get3A_274, %get3A_275] {strides = array<i32>} : memref<200x64xf32, #tpu.memory_space<vmem>>, vector<1x16xf32>,
        %get3A_277 = vector.shape_cast %get3A_276 : vector<1x16xf32> to vector<16xf32>
        %add3A_278 = arith.constant 0 : i32
        %add3A_279 = arith.addi %scan3A_189, %add3A_278 : i32
        %get3A_280 = arith.index_cast %add3A_279 : i32 to index
        %get3A_281 = arith.constant 48 : index
        %get3A_282 = tpu.vector_load %arg7[%get3A_280, %get3A_281] {strides = array<i32>} : memref<400x64xf32, #tpu.memory_space<vmem>>, vector<1x16xf32>,
        %get3A_283 = vector.shape_cast %get3A_282 : vector<1x16xf32> to vector<16xf32>
        %add3A_284 = arith.addf %get3A_283, %get3A_277 : vector<16xf32>
        %swap3A_285 = arith.index_cast %add3A_279 : i32 to index
        %swap3A_286 = arith.constant 48 : index
        %swap3A_287 = tpu.vector_load %arg7[%swap3A_285, %swap3A_286] {strides = array<i32>} : memref<400x64xf32, #tpu.memory_space<vmem>>, vector<1x16xf32>,
        %swap3A_288 = vector.shape_cast %swap3A_287 : vector<1x16xf32> to vector<16xf32>
        %swap3A_289 = vector.shape_cast %add3A_284 : vector<16xf32> to vector<1x16xf32>
        tpu.vector_store %arg7[%swap3A_285, %swap3A_286], %swap3A_289 {strides = array<i32>} : memref<400x64xf32, #tpu.memory_space<vmem>>, vector<1x16xf32>,
        %add3A_290 = arith.constant 200 : i32
        %add3A_291 = arith.addi %scan3A_189, %add3A_290 : i32
        %get3A_292 = arith.index_cast %add3A_291 : i32 to index
        %get3A_293 = arith.constant 48 : index
        %get3A_294 = tpu.vector_load %arg7[%get3A_292, %get3A_293] {strides = array<i32>} : memref<400x64xf32, #tpu.memory_space<vmem>>, vector<1x16xf32>,
        %get3A_295 = vector.shape_cast %get3A_294 : vector<1x16xf32> to vector<16xf32>
        %add3A_296 = arith.addf %get3A_295, %get3A_277 : vector<16xf32>
        %swap3A_297 = arith.index_cast %add3A_291 : i32 to index
        %swap3A_298 = arith.constant 48 : index
        %swap3A_299 = tpu.vector_load %arg7[%swap3A_297, %swap3A_298] {strides = array<i32>} : memref<400x64xf32, #tpu.memory_space<vmem>>, vector<1x16xf32>,
        %swap3A_300 = vector.shape_cast %swap3A_299 : vector<1x16xf32> to vector<16xf32>
        %swap3A_301 = vector.shape_cast %add3A_296 : vector<16xf32> to vector<1x16xf32>
        tpu.vector_store %arg7[%swap3A_297, %swap3A_298], %swap3A_301 {strides = array<i32>} : memref<400x64xf32, #tpu.memory_space<vmem>>, vector<1x16xf32>,
      }
      %scan3A_40 = arith.constant 200 : i32
      %mul3A_41 = arith.constant 400 : i32
      %mul3A_42 = arith.muli %mul3A_25, %mul3A_41 : i32
      %add3A_43 = arith.addi %mul3A_2, %mul3A_42 : i32
      %dma_start3A_44 = arith.constant 0 : i32
      %dma_start3A_45 = tpu.memref_slice %arg5[%add3A_43, %dma_start3A_44] : memref<819200x64xf32, #tpu.memory_space<hbm>> -> memref<400x64xf32, #tpu.memory_space<hbm>>
      %dma_start3A_46 = arith.constant 0 : i32
      %dma_start3A_47 = tpu.memref_slice %arg5[%add3A_43, %dma_start3A_46] : memref<819200x64xf32, #tpu.memory_space<hbm>> -> memref<400x64xf32, #tpu.memory_space<hbm>>
      tpu.enqueue_dma source(%arg7 : memref<400x64xf32, #tpu.memory_space<vmem>>) target(%dma_start3A_47 : memref<400x64xf32, #tpu.memory_space<hbm>>) target_semaphore(%arg12 : memref<!tpu.dma_semaphore, #tpu.memory_space<semaphore_mem>>)
      %mul3A_48 = arith.constant 2 : i32
      %mul3A_49 = arith.muli %scan3A_23, %mul3A_48 : i32
      %add3A_50 = arith.constant 1 : i32
      %add3A_51 = arith.addi %mul3A_49, %add3A_50 : i32
      %dma_wait3A_52 = arith.constant 0 : i32
      %dma_wait3A_53 = tpu.memref_slice %arg6[%dma_wait3A_52] : memref<25600xi32, #tpu.memory_space<vmem>> -> memref<400xi32, #tpu.memory_space<vmem>>
      %dma_wait3A_54 = arith.constant 0 : i32
      %dma_wait3A_55 = arith.constant 0 : i32
      %dma_wait3A_56 = tpu.memref_slice %arg3[%dma_wait3A_54, %dma_wait3A_55] : memref<1000000x64xf32, #tpu.memory_space<hbm>> -> memref<1000000x64xf32, #tpu.memory_space<hbm>>
      tpu.wait_indirect_dma semaphore(%arg11 : memref<!tpu.dma_semaphore, #tpu.memory_space<semaphore_mem>>) src(%dma_wait3A_56 : memref<1000000x64xf32, #tpu.memory_space<hbm>>) dst(%arg8 : memref<400x64xf32, #tpu.memory_space<vmem>>)
      %add3A_57 = arith.constant 1 : i32
      %add3A_58 = arith.addi %add3A_51, %add3A_57 : i32
      %lt3A_59 = arith.constant 64 : i32
      %lt3A_60 = arith.cmpi slt, %add3A_58, %lt3A_59 : i32
      %convert_element_type3A_61 = arith.extui %lt3A_60 : i1 to i32
      %cond3A_62 = arith.constant 0 : i32
      %cond3A_63 = arith.cmpi ne, %convert_element_type3A_61, %cond3A_62 : i32
      scf.if %cond3A_63 {
        %ge3A = arith.constant 1 : i32
        %ge3A_77 = arith.cmpi sge, %add3A_51, %ge3A : i32
        %convert_element_type3A_78 = arith.extui %ge3A_77 : i1 to i32
        %cond3A_79 = arith.constant 0 : i32
        %cond3A_80 = arith.cmpi ne, %convert_element_type3A_78, %cond3A_79 : i32
        scf.if %cond3A_80 {
          %dma_wait3A_89 = arith.constant 0 : i32
          %dma_wait3A_90 = arith.constant 0 : i32
          %dma_wait3A_91 = tpu.memref_slice %arg5[%dma_wait3A_89, %dma_wait3A_90] : memref<819200x64xf32, #tpu.memory_space<hbm>> -> memref<400x64xf32, #tpu.memory_space<hbm>>
          %dma_wait3A_92 = arith.constant 0 : i32
          %dma_wait3A_93 = arith.constant 0 : i32
          %dma_wait3A_94 = tpu.memref_slice %arg5[%dma_wait3A_92, %dma_wait3A_93] : memref<819200x64xf32, #tpu.memory_space<hbm>> -> memref<400x64xf32, #tpu.memory_space<hbm>>
          tpu.wait_dma2 semaphore(%arg12 : memref<!tpu.dma_semaphore, #tpu.memory_space<semaphore_mem>>) src(%arg7 : memref<400x64xf32, #tpu.memory_space<vmem>>) dst(%dma_wait3A_94 : memref<400x64xf32, #tpu.memory_space<hbm>>)
        } else {
        }
        %add3A_81 = arith.constant 1 : i32
        %add3A_82 = arith.addi %add3A_51, %add3A_81 : i32
        %mul3A_83 = arith.constant 400 : i32
        %mul3A_84 = arith.muli %add3A_82, %mul3A_83 : i32
        %dma_start3A_85 = tpu.memref_slice %arg6[%mul3A_84] : memref<25600xi32, #tpu.memory_space<vmem>> -> memref<400xi32, #tpu.memory_space<vmem>>
        %dma_start3A_86 = arith.constant 0 : i32
        %dma_start3A_87 = arith.constant 0 : i32
        %dma_start3A_88 = tpu.memref_slice %arg3[%dma_start3A_86, %dma_start3A_87] : memref<1000000x64xf32, #tpu.memory_space<hbm>> -> memref<1000000x64xf32, #tpu.memory_space<hbm>>
        tpu.enqueue_indirect_dma source(%dma_start3A_88 : memref<1000000x64xf32, #tpu.memory_space<hbm>>) target(%arg7 : memref<400x64xf32, #tpu.memory_space<vmem>>) offsets(%dma_start3A_85 : memref<400xi32, #tpu.memory_space<vmem>>) semaphore(%arg10 : memref<!tpu.dma_semaphore, #tpu.memory_space<semaphore_mem>>)
      } else {
      }
      %scan3A_64 = arith.constant 0 : i32
      %scan3A_65 = arith.constant 0 : i32
      %scan3A_66 = arith.constant 200 : i32
      %scan3A_67 = arith.addi %scan3A_65, %scan3A_66 : i32
      %scan3A_68 = arith.constant 2 : i32
      scf.for %scan3A_77 = %scan3A_65 to %scan3A_67 step %scan3A_68  : i32 {
        %get3A = arith.index_cast %scan3A_77 : i32 to index
        %get3A_78 = arith.constant 0 : index
        %get3A_79 = tpu.vector_load %arg9[%get3A, %get3A_78] {strides = array<i32>} : memref<200x64xf32, #tpu.memory_space<vmem>>, vector<1x16xf32>,
        %get3A_80 = vector.shape_cast %get3A_79 : vector<1x16xf32> to vector<16xf32>
        %add3A_81 = arith.constant 0 : i32
        %add3A_82 = arith.addi %scan3A_77, %add3A_81 : i32
        %get3A_83 = arith.index_cast %add3A_82 : i32 to index
        %get3A_84 = arith.constant 0 : index
        %get3A_85 = tpu.vector_load %arg8[%get3A_83, %get3A_84] {strides = array<i32>} : memref<400x64xf32, #tpu.memory_space<vmem>>, vector<1x16xf32>,
        %get3A_86 = vector.shape_cast %get3A_85 : vector<1x16xf32> to vector<16xf32>
        %add3A_87 = arith.addf %get3A_86, %get3A_80 : vector<16xf32>
        %swap3A = arith.index_cast %add3A_82 : i32 to index
        %swap3A_88 = arith.constant 0 : index
        %swap3A_89 = tpu.vector_load %arg8[%swap3A, %swap3A_88] {strides = array<i32>} : memref<400x64xf32, #tpu.memory_space<vmem>>, vector<1x16xf32>,
        %swap3A_90 = vector.shape_cast %swap3A_89 : vector<1x16xf32> to vector<16xf32>
        %swap3A_91 = vector.shape_cast %add3A_87 : vector<16xf32> to vector<1x16xf32>
        tpu.vector_store %arg8[%swap3A, %swap3A_88], %swap3A_91 {strides = array<i32>} : memref<400x64xf32, #tpu.memory_space<vmem>>, vector<1x16xf32>,
        %add3A_92 = arith.constant 200 : i32
        %add3A_93 = arith.addi %scan3A_77, %add3A_92 : i32
        %get3A_94 = arith.index_cast %add3A_93 : i32 to index
        %get3A_95 = arith.constant 0 : index
        %get3A_96 = tpu.vector_load %arg8[%get3A_94, %get3A_95] {strides = array<i32>} : memref<400x64xf32, #tpu.memory_space<vmem>>, vector<1x16xf32>,
        %get3A_97 = vector.shape_cast %get3A_96 : vector<1x16xf32> to vector<16xf32>
        %add3A_98 = arith.addf %get3A_97, %get3A_80 : vector<16xf32>
        %swap3A_99 = arith.index_cast %add3A_93 : i32 to index
        %swap3A_100 = arith.constant 0 : index
        %swap3A_101 = tpu.vector_load %arg8[%swap3A_99, %swap3A_100] {strides = array<i32>} : memref<400x64xf32, #tpu.memory_space<vmem>>, vector<1x16xf32>,
        %swap3A_102 = vector.shape_cast %swap3A_101 : vector<1x16xf32> to vector<16xf32>
        %swap3A_103 = vector.shape_cast %add3A_98 : vector<16xf32> to vector<1x16xf32>
        tpu.vector_store %arg8[%swap3A_99, %swap3A_100], %swap3A_103 {strides = array<i32>} : memref<400x64xf32, #tpu.memory_space<vmem>>, vector<1x16xf32>,
        %get3A_104 = arith.index_cast %scan3A_77 : i32 to index
        %get3A_105 = arith.constant 16 : index
        %get3A_106 = tpu.vector_load %arg9[%get3A_104, %get3A_105] {strides = array<i32>} : memref<200x64xf32, #tpu.memory_space<vmem>>, vector<1x16xf32>,
        %get3A_107 = vector.shape_cast %get3A_106 : vector<1x16xf32> to vector<16xf32>
        %add3A_108 = arith.constant 0 : i32
        %add3A_109 = arith.addi %scan3A_77, %add3A_108 : i32
        %get3A_110 = arith.index_cast %add3A_109 : i32 to index
        %get3A_111 = arith.constant 16 : index
        %get3A_112 = tpu.vector_load %arg8[%get3A_110, %get3A_111] {strides = array<i32>} : memref<400x64xf32, #tpu.memory_space<vmem>>, vector<1x16xf32>,
        %get3A_113 = vector.shape_cast %get3A_112 : vector<1x16xf32> to vector<16xf32>
        %add3A_114 = arith.addf %get3A_113, %get3A_107 : vector<16xf32>
        %swap3A_115 = arith.index_cast %add3A_109 : i32 to index
        %swap3A_116 = arith.constant 16 : index
        %swap3A_117 = tpu.vector_load %arg8[%swap3A_115, %swap3A_116] {strides = array<i32>} : memref<400x64xf32, #tpu.memory_space<vmem>>, vector<1x16xf32>,
        %swap3A_118 = vector.shape_cast %swap3A_117 : vector<1x16xf32> to vector<16xf32>
        %swap3A_119 = vector.shape_cast %add3A_114 : vector<16xf32> to vector<1x16xf32>
        tpu.vector_store %arg8[%swap3A_115, %swap3A_116], %swap3A_119 {strides = array<i32>} : memref<400x64xf32, #tpu.memory_space<vmem>>, vector<1x16xf32>,
        %add3A_120 = arith.constant 200 : i32
        %add3A_121 = arith.addi %scan3A_77, %add3A_120 : i32
        %get3A_122 = arith.index_cast %add3A_121 : i32 to index
        %get3A_123 = arith.constant 16 : index
        %get3A_124 = tpu.vector_load %arg8[%get3A_122, %get3A_123] {strides = array<i32>} : memref<400x64xf32, #tpu.memory_space<vmem>>, vector<1x16xf32>,
        %get3A_125 = vector.shape_cast %get3A_124 : vector<1x16xf32> to vector<16xf32>
        %add3A_126 = arith.addf %get3A_125, %get3A_107 : vector<16xf32>
        %swap3A_127 = arith.index_cast %add3A_121 : i32 to index
        %swap3A_128 = arith.constant 16 : index
        %swap3A_129 = tpu.vector_load %arg8[%swap3A_127, %swap3A_128] {strides = array<i32>} : memref<400x64xf32, #tpu.memory_space<vmem>>, vector<1x16xf32>,
        %swap3A_130 = vector.shape_cast %swap3A_129 : vector<1x16xf32> to vector<16xf32>
        %swap3A_131 = vector.shape_cast %add3A_126 : vector<16xf32> to vector<1x16xf32>
        tpu.vector_store %arg8[%swap3A_127, %swap3A_128], %swap3A_131 {strides = array<i32>} : memref<400x64xf32, #tpu.memory_space<vmem>>, vector<1x16xf32>,
        %get3A_132 = arith.index_cast %scan3A_77 : i32 to index
        %get3A_133 = arith.constant 32 : index
        %get3A_134 = tpu.vector_load %arg9[%get3A_132, %get3A_133] {strides = array<i32>} : memref<200x64xf32, #tpu.memory_space<vmem>>, vector<1x16xf32>,
        %get3A_135 = vector.shape_cast %get3A_134 : vector<1x16xf32> to vector<16xf32>
        %add3A_136 = arith.constant 0 : i32
        %add3A_137 = arith.addi %scan3A_77, %add3A_136 : i32
        %get3A_138 = arith.index_cast %add3A_137 : i32 to index
        %get3A_139 = arith.constant 32 : index
        %get3A_140 = tpu.vector_load %arg8[%get3A_138, %get3A_139] {strides = array<i32>} : memref<400x64xf32, #tpu.memory_space<vmem>>, vector<1x16xf32>,
        %get3A_141 = vector.shape_cast %get3A_140 : vector<1x16xf32> to vector<16xf32>
        %add3A_142 = arith.addf %get3A_141, %get3A_135 : vector<16xf32>
        %swap3A_143 = arith.index_cast %add3A_137 : i32 to index
        %swap3A_144 = arith.constant 32 : index
        %swap3A_145 = tpu.vector_load %arg8[%swap3A_143, %swap3A_144] {strides = array<i32>} : memref<400x64xf32, #tpu.memory_space<vmem>>, vector<1x16xf32>,
        %swap3A_146 = vector.shape_cast %swap3A_145 : vector<1x16xf32> to vector<16xf32>
        %swap3A_147 = vector.shape_cast %add3A_142 : vector<16xf32> to vector<1x16xf32>
        tpu.vector_store %arg8[%swap3A_143, %swap3A_144], %swap3A_147 {strides = array<i32>} : memref<400x64xf32, #tpu.memory_space<vmem>>, vector<1x16xf32>,
        %add3A_148 = arith.constant 200 : i32
        %add3A_149 = arith.addi %scan3A_77, %add3A_148 : i32
        %get3A_150 = arith.index_cast %add3A_149 : i32 to index
        %get3A_151 = arith.constant 32 : index
        %get3A_152 = tpu.vector_load %arg8[%get3A_150, %get3A_151] {strides = array<i32>} : memref<400x64xf32, #tpu.memory_space<vmem>>, vector<1x16xf32>,
        %get3A_153 = vector.shape_cast %get3A_152 : vector<1x16xf32> to vector<16xf32>
        %add3A_154 = arith.addf %get3A_153, %get3A_135 : vector<16xf32>
        %swap3A_155 = arith.index_cast %add3A_149 : i32 to index
        %swap3A_156 = arith.constant 32 : index
        %swap3A_157 = tpu.vector_load %arg8[%swap3A_155, %swap3A_156] {strides = array<i32>} : memref<400x64xf32, #tpu.memory_space<vmem>>, vector<1x16xf32>,
        %swap3A_158 = vector.shape_cast %swap3A_157 : vector<1x16xf32> to vector<16xf32>
        %swap3A_159 = vector.shape_cast %add3A_154 : vector<16xf32> to vector<1x16xf32>
        tpu.vector_store %arg8[%swap3A_155, %swap3A_156], %swap3A_159 {strides = array<i32>} : memref<400x64xf32, #tpu.memory_space<vmem>>, vector<1x16xf32>,
        %get3A_160 = arith.index_cast %scan3A_77 : i32 to index
        %get3A_161 = arith.constant 48 : index
        %get3A_162 = tpu.vector_load %arg9[%get3A_160, %get3A_161] {strides = array<i32>} : memref<200x64xf32, #tpu.memory_space<vmem>>, vector<1x16xf32>,
        %get3A_163 = vector.shape_cast %get3A_162 : vector<1x16xf32> to vector<16xf32>
        %add3A_164 = arith.constant 0 : i32
        %add3A_165 = arith.addi %scan3A_77, %add3A_164 : i32
        %get3A_166 = arith.index_cast %add3A_165 : i32 to index
        %get3A_167 = arith.constant 48 : index
        %get3A_168 = tpu.vector_load %arg8[%get3A_166, %get3A_167] {strides = array<i32>} : memref<400x64xf32, #tpu.memory_space<vmem>>, vector<1x16xf32>,
        %get3A_169 = vector.shape_cast %get3A_168 : vector<1x16xf32> to vector<16xf32>
        %add3A_170 = arith.addf %get3A_169, %get3A_163 : vector<16xf32>
        %swap3A_171 = arith.index_cast %add3A_165 : i32 to index
        %swap3A_172 = arith.constant 48 : index
        %swap3A_173 = tpu.vector_load %arg8[%swap3A_171, %swap3A_172] {strides = array<i32>} : memref<400x64xf32, #tpu.memory_space<vmem>>, vector<1x16xf32>,
        %swap3A_174 = vector.shape_cast %swap3A_173 : vector<1x16xf32> to vector<16xf32>
        %swap3A_175 = vector.shape_cast %add3A_170 : vector<16xf32> to vector<1x16xf32>
        tpu.vector_store %arg8[%swap3A_171, %swap3A_172], %swap3A_175 {strides = array<i32>} : memref<400x64xf32, #tpu.memory_space<vmem>>, vector<1x16xf32>,
        %add3A_176 = arith.constant 200 : i32
        %add3A_177 = arith.addi %scan3A_77, %add3A_176 : i32
        %get3A_178 = arith.index_cast %add3A_177 : i32 to index
        %get3A_179 = arith.constant 48 : index
        %get3A_180 = tpu.vector_load %arg8[%get3A_178, %get3A_179] {strides = array<i32>} : memref<400x64xf32, #tpu.memory_space<vmem>>, vector<1x16xf32>,
        %get3A_181 = vector.shape_cast %get3A_180 : vector<1x16xf32> to vector<16xf32>
        %add3A_182 = arith.addf %get3A_181, %get3A_163 : vector<16xf32>
        %swap3A_183 = arith.index_cast %add3A_177 : i32 to index
        %swap3A_184 = arith.constant 48 : index
        %swap3A_185 = tpu.vector_load %arg8[%swap3A_183, %swap3A_184] {strides = array<i32>} : memref<400x64xf32, #tpu.memory_space<vmem>>, vector<1x16xf32>,
        %swap3A_186 = vector.shape_cast %swap3A_185 : vector<1x16xf32> to vector<16xf32>
        %swap3A_187 = vector.shape_cast %add3A_182 : vector<16xf32> to vector<1x16xf32>
        tpu.vector_store %arg8[%swap3A_183, %swap3A_184], %swap3A_187 {strides = array<i32>} : memref<400x64xf32, #tpu.memory_space<vmem>>, vector<1x16xf32>,
        %scan3A_188 = arith.constant 1 : i32
        %scan3A_189 = arith.addi %scan3A_77, %scan3A_188 : i32
        %get3A_190 = arith.index_cast %scan3A_189 : i32 to index
        %get3A_191 = arith.constant 0 : index
        %get3A_192 = tpu.vector_load %arg9[%get3A_190, %get3A_191] {strides = array<i32>} : memref<200x64xf32, #tpu.memory_space<vmem>>, vector<1x16xf32>,
        %get3A_193 = vector.shape_cast %get3A_192 : vector<1x16xf32> to vector<16xf32>
        %add3A_194 = arith.constant 0 : i32
        %add3A_195 = arith.addi %scan3A_189, %add3A_194 : i32
        %get3A_196 = arith.index_cast %add3A_195 : i32 to index
        %get3A_197 = arith.constant 0 : index
        %get3A_198 = tpu.vector_load %arg8[%get3A_196, %get3A_197] {strides = array<i32>} : memref<400x64xf32, #tpu.memory_space<vmem>>, vector<1x16xf32>,
        %get3A_199 = vector.shape_cast %get3A_198 : vector<1x16xf32> to vector<16xf32>
        %add3A_200 = arith.addf %get3A_199, %get3A_193 : vector<16xf32>
        %swap3A_201 = arith.index_cast %add3A_195 : i32 to index
        %swap3A_202 = arith.constant 0 : index
        %swap3A_203 = tpu.vector_load %arg8[%swap3A_201, %swap3A_202] {strides = array<i32>} : memref<400x64xf32, #tpu.memory_space<vmem>>, vector<1x16xf32>,
        %swap3A_204 = vector.shape_cast %swap3A_203 : vector<1x16xf32> to vector<16xf32>
        %swap3A_205 = vector.shape_cast %add3A_200 : vector<16xf32> to vector<1x16xf32>
        tpu.vector_store %arg8[%swap3A_201, %swap3A_202], %swap3A_205 {strides = array<i32>} : memref<400x64xf32, #tpu.memory_space<vmem>>, vector<1x16xf32>,
        %add3A_206 = arith.constant 200 : i32
        %add3A_207 = arith.addi %scan3A_189, %add3A_206 : i32
        %get3A_208 = arith.index_cast %add3A_207 : i32 to index
        %get3A_209 = arith.constant 0 : index
        %get3A_210 = tpu.vector_load %arg8[%get3A_208, %get3A_209] {strides = array<i32>} : memref<400x64xf32, #tpu.memory_space<vmem>>, vector<1x16xf32>,
        %get3A_211 = vector.shape_cast %get3A_210 : vector<1x16xf32> to vector<16xf32>
        %add3A_212 = arith.addf %get3A_211, %get3A_193 : vector<16xf32>
        %swap3A_213 = arith.index_cast %add3A_207 : i32 to index
        %swap3A_214 = arith.constant 0 : index
        %swap3A_215 = tpu.vector_load %arg8[%swap3A_213, %swap3A_214] {strides = array<i32>} : memref<400x64xf32, #tpu.memory_space<vmem>>, vector<1x16xf32>,
        %swap3A_216 = vector.shape_cast %swap3A_215 : vector<1x16xf32> to vector<16xf32>
        %swap3A_217 = vector.shape_cast %add3A_212 : vector<16xf32> to vector<1x16xf32>
        tpu.vector_store %arg8[%swap3A_213, %swap3A_214], %swap3A_217 {strides = array<i32>} : memref<400x64xf32, #tpu.memory_space<vmem>>, vector<1x16xf32>,
        %get3A_218 = arith.index_cast %scan3A_189 : i32 to index
        %get3A_219 = arith.constant 16 : index
        %get3A_220 = tpu.vector_load %arg9[%get3A_218, %get3A_219] {strides = array<i32>} : memref<200x64xf32, #tpu.memory_space<vmem>>, vector<1x16xf32>,
        %get3A_221 = vector.shape_cast %get3A_220 : vector<1x16xf32> to vector<16xf32>
        %add3A_222 = arith.constant 0 : i32
        %add3A_223 = arith.addi %scan3A_189, %add3A_222 : i32
        %get3A_224 = arith.index_cast %add3A_223 : i32 to index
        %get3A_225 = arith.constant 16 : index
        %get3A_226 = tpu.vector_load %arg8[%get3A_224, %get3A_225] {strides = array<i32>} : memref<400x64xf32, #tpu.memory_space<vmem>>, vector<1x16xf32>,
        %get3A_227 = vector.shape_cast %get3A_226 : vector<1x16xf32> to vector<16xf32>
        %add3A_228 = arith.addf %get3A_227, %get3A_221 : vector<16xf32>
        %swap3A_229 = arith.index_cast %add3A_223 : i32 to index
        %swap3A_230 = arith.constant 16 : index
        %swap3A_231 = tpu.vector_load %arg8[%swap3A_229, %swap3A_230] {strides = array<i32>} : memref<400x64xf32, #tpu.memory_space<vmem>>, vector<1x16xf32>,
        %swap3A_232 = vector.shape_cast %swap3A_231 : vector<1x16xf32> to vector<16xf32>
        %swap3A_233 = vector.shape_cast %add3A_228 : vector<16xf32> to vector<1x16xf32>
        tpu.vector_store %arg8[%swap3A_229, %swap3A_230], %swap3A_233 {strides = array<i32>} : memref<400x64xf32, #tpu.memory_space<vmem>>, vector<1x16xf32>,
        %add3A_234 = arith.constant 200 : i32
        %add3A_235 = arith.addi %scan3A_189, %add3A_234 : i32
        %get3A_236 = arith.index_cast %add3A_235 : i32 to index
        %get3A_237 = arith.constant 16 : index
        %get3A_238 = tpu.vector_load %arg8[%get3A_236, %get3A_237] {strides = array<i32>} : memref<400x64xf32, #tpu.memory_space<vmem>>, vector<1x16xf32>,
        %get3A_239 = vector.shape_cast %get3A_238 : vector<1x16xf32> to vector<16xf32>
        %add3A_240 = arith.addf %get3A_239, %get3A_221 : vector<16xf32>
        %swap3A_241 = arith.index_cast %add3A_235 : i32 to index
        %swap3A_242 = arith.constant 16 : index
        %swap3A_243 = tpu.vector_load %arg8[%swap3A_241, %swap3A_242] {strides = array<i32>} : memref<400x64xf32, #tpu.memory_space<vmem>>, vector<1x16xf32>,
        %swap3A_244 = vector.shape_cast %swap3A_243 : vector<1x16xf32> to vector<16xf32>
        %swap3A_245 = vector.shape_cast %add3A_240 : vector<16xf32> to vector<1x16xf32>
        tpu.vector_store %arg8[%swap3A_241, %swap3A_242], %swap3A_245 {strides = array<i32>} : memref<400x64xf32, #tpu.memory_space<vmem>>, vector<1x16xf32>,
        %get3A_246 = arith.index_cast %scan3A_189 : i32 to index
        %get3A_247 = arith.constant 32 : index
        %get3A_248 = tpu.vector_load %arg9[%get3A_246, %get3A_247] {strides = array<i32>} : memref<200x64xf32, #tpu.memory_space<vmem>>, vector<1x16xf32>,
        %get3A_249 = vector.shape_cast %get3A_248 : vector<1x16xf32> to vector<16xf32>
        %add3A_250 = arith.constant 0 : i32
        %add3A_251 = arith.addi %scan3A_189, %add3A_250 : i32
        %get3A_252 = arith.index_cast %add3A_251 : i32 to index
        %get3A_253 = arith.constant 32 : index
        %get3A_254 = tpu.vector_load %arg8[%get3A_252, %get3A_253] {strides = array<i32>} : memref<400x64xf32, #tpu.memory_space<vmem>>, vector<1x16xf32>,
        %get3A_255 = vector.shape_cast %get3A_254 : vector<1x16xf32> to vector<16xf32>
        %add3A_256 = arith.addf %get3A_255, %get3A_249 : vector<16xf32>
        %swap3A_257 = arith.index_cast %add3A_251 : i32 to index
        %swap3A_258 = arith.constant 32 : index
        %swap3A_259 = tpu.vector_load %arg8[%swap3A_257, %swap3A_258] {strides = array<i32>} : memref<400x64xf32, #tpu.memory_space<vmem>>, vector<1x16xf32>,
        %swap3A_260 = vector.shape_cast %swap3A_259 : vector<1x16xf32> to vector<16xf32>
        %swap3A_261 = vector.shape_cast %add3A_256 : vector<16xf32> to vector<1x16xf32>
        tpu.vector_store %arg8[%swap3A_257, %swap3A_258], %swap3A_261 {strides = array<i32>} : memref<400x64xf32, #tpu.memory_space<vmem>>, vector<1x16xf32>,
        %add3A_262 = arith.constant 200 : i32
        %add3A_263 = arith.addi %scan3A_189, %add3A_262 : i32
        %get3A_264 = arith.index_cast %add3A_263 : i32 to index
        %get3A_265 = arith.constant 32 : index
        %get3A_266 = tpu.vector_load %arg8[%get3A_264, %get3A_265] {strides = array<i32>} : memref<400x64xf32, #tpu.memory_space<vmem>>, vector<1x16xf32>,
        %get3A_267 = vector.shape_cast %get3A_266 : vector<1x16xf32> to vector<16xf32>
        %add3A_268 = arith.addf %get3A_267, %get3A_249 : vector<16xf32>
        %swap3A_269 = arith.index_cast %add3A_263 : i32 to index
        %swap3A_270 = arith.constant 32 : index
        %swap3A_271 = tpu.vector_load %arg8[%swap3A_269, %swap3A_270] {strides = array<i32>} : memref<400x64xf32, #tpu.memory_space<vmem>>, vector<1x16xf32>,
        %swap3A_272 = vector.shape_cast %swap3A_271 : vector<1x16xf32> to vector<16xf32>
        %swap3A_273 = vector.shape_cast %add3A_268 : vector<16xf32> to vector<1x16xf32>
        tpu.vector_store %arg8[%swap3A_269, %swap3A_270], %swap3A_273 {strides = array<i32>} : memref<400x64xf32, #tpu.memory_space<vmem>>, vector<1x16xf32>,
        %get3A_274 = arith.index_cast %scan3A_189 : i32 to index
        %get3A_275 = arith.constant 48 : index
        %get3A_276 = tpu.vector_load %arg9[%get3A_274, %get3A_275] {strides = array<i32>} : memref<200x64xf32, #tpu.memory_space<vmem>>, vector<1x16xf32>,
        %get3A_277 = vector.shape_cast %get3A_276 : vector<1x16xf32> to vector<16xf32>
        %add3A_278 = arith.constant 0 : i32
        %add3A_279 = arith.addi %scan3A_189, %add3A_278 : i32
        %get3A_280 = arith.index_cast %add3A_279 : i32 to index
        %get3A_281 = arith.constant 48 : index
        %get3A_282 = tpu.vector_load %arg8[%get3A_280, %get3A_281] {strides = array<i32>} : memref<400x64xf32, #tpu.memory_space<vmem>>, vector<1x16xf32>,
        %get3A_283 = vector.shape_cast %get3A_282 : vector<1x16xf32> to vector<16xf32>
        %add3A_284 = arith.addf %get3A_283, %get3A_277 : vector<16xf32>
        %swap3A_285 = arith.index_cast %add3A_279 : i32 to index
        %swap3A_286 = arith.constant 48 : index
        %swap3A_287 = tpu.vector_load %arg8[%swap3A_285, %swap3A_286] {strides = array<i32>} : memref<400x64xf32, #tpu.memory_space<vmem>>, vector<1x16xf32>,
        %swap3A_288 = vector.shape_cast %swap3A_287 : vector<1x16xf32> to vector<16xf32>
        %swap3A_289 = vector.shape_cast %add3A_284 : vector<16xf32> to vector<1x16xf32>
        tpu.vector_store %arg8[%swap3A_285, %swap3A_286], %swap3A_289 {strides = array<i32>} : memref<400x64xf32, #tpu.memory_space<vmem>>, vector<1x16xf32>,
        %add3A_290 = arith.constant 200 : i32
        %add3A_291 = arith.addi %scan3A_189, %add3A_290 : i32
        %get3A_292 = arith.index_cast %add3A_291 : i32 to index
        %get3A_293 = arith.constant 48 : index
        %get3A_294 = tpu.vector_load %arg8[%get3A_292, %get3A_293] {strides = array<i32>} : memref<400x64xf32, #tpu.memory_space<vmem>>, vector<1x16xf32>,
        %get3A_295 = vector.shape_cast %get3A_294 : vector<1x16xf32> to vector<16xf32>
        %add3A_296 = arith.addf %get3A_295, %get3A_277 : vector<16xf32>
        %swap3A_297 = arith.index_cast %add3A_291 : i32 to index
        %swap3A_298 = arith.constant 48 : index
        %swap3A_299 = tpu.vector_load %arg8[%swap3A_297, %swap3A_298] {strides = array<i32>} : memref<400x64xf32, #tpu.memory_space<vmem>>, vector<1x16xf32>,
        %swap3A_300 = vector.shape_cast %swap3A_299 : vector<1x16xf32> to vector<16xf32>
        %swap3A_301 = vector.shape_cast %add3A_296 : vector<16xf32> to vector<1x16xf32>
        tpu.vector_store %arg8[%swap3A_297, %swap3A_298], %swap3A_301 {strides = array<i32>} : memref<400x64xf32, #tpu.memory_space<vmem>>, vector<1x16xf32>,
      }
      %scan3A_69 = arith.constant 200 : i32
      %mul3A_70 = arith.constant 400 : i32
      %mul3A_71 = arith.muli %add3A_51, %mul3A_70 : i32
      %add3A_72 = arith.addi %mul3A_2, %mul3A_71 : i32
      %dma_start3A_73 = arith.constant 0 : i32
      %dma_start3A_74 = tpu.memref_slice %arg5[%add3A_72, %dma_start3A_73] : memref<819200x64xf32, #tpu.memory_space<hbm>> -> memref<400x64xf32, #tpu.memory_space<hbm>>
      %dma_start3A_75 = arith.constant 0 : i32
      %dma_start3A_76 = tpu.memref_slice %arg5[%add3A_72, %dma_start3A_75] : memref<819200x64xf32, #tpu.memory_space<hbm>> -> memref<400x64xf32, #tpu.memory_space<hbm>>
      tpu.enqueue_dma source(%arg8 : memref<400x64xf32, #tpu.memory_space<vmem>>) target(%dma_start3A_76 : memref<400x64xf32, #tpu.memory_space<hbm>>) target_semaphore(%arg13 : memref<!tpu.dma_semaphore, #tpu.memory_space<semaphore_mem>>)
    }
    %scan3A_11 = arith.constant 32 : i32
    %dma_wait3A = arith.constant 0 : i32
    %dma_wait3A_12 = arith.constant 0 : i32
    %dma_wait3A_13 = tpu.memref_slice %arg5[%dma_wait3A, %dma_wait3A_12] : memref<819200x64xf32, #tpu.memory_space<hbm>> -> memref<400x64xf32, #tpu.memory_space<hbm>>
    %dma_wait3A_14 = arith.constant 0 : i32
    %dma_wait3A_15 = arith.constant 0 : i32
    %dma_wait3A_16 = tpu.memref_slice %arg5[%dma_wait3A_14, %dma_wait3A_15] : memref<819200x64xf32, #tpu.memory_space<hbm>> -> memref<400x64xf32, #tpu.memory_space<hbm>>
    tpu.wait_dma2 semaphore(%arg12 : memref<!tpu.dma_semaphore, #tpu.memory_space<semaphore_mem>>) src(%arg7 : memref<400x64xf32, #tpu.memory_space<vmem>>) dst(%dma_wait3A_16 : memref<400x64xf32, #tpu.memory_space<hbm>>)
    %dma_wait3A_17 = arith.constant 0 : i32
    %dma_wait3A_18 = arith.constant 0 : i32
    %dma_wait3A_19 = tpu.memref_slice %arg5[%dma_wait3A_17, %dma_wait3A_18] : memref<819200x64xf32, #tpu.memory_space<hbm>> -> memref<400x64xf32, #tpu.memory_space<hbm>>
    %dma_wait3A_20 = arith.constant 0 : i32
    %dma_wait3A_21 = arith.constant 0 : i32
    %dma_wait3A_22 = tpu.memref_slice %arg5[%dma_wait3A_20, %dma_wait3A_21] : memref<819200x64xf32, #tpu.memory_space<hbm>> -> memref<400x64xf32, #tpu.memory_space<hbm>>
    tpu.wait_dma2 semaphore(%arg13 : memref<!tpu.dma_semaphore, #tpu.memory_space<semaphore_mem>>) src(%arg8 : memref<400x64xf32, #tpu.memory_space<vmem>>) dst(%dma_wait3A_22 : memref<400x64xf32, #tpu.memory_space<hbm>>)
    return
  }
}

</mosaic_0001>

<sc_bundles>
// kernel: kernel.3.cloned.1.call-start
scs
__scs_entry_jumppad:
0x0: {  	(pc) =	sbr.rel $0x88, $3  }
0x1: {  	(tag) =	ssettag $0x0;
	lr =	simm.s32 $0x1  }
0x2: {  	[smem:$0x3F9E] =	sst lr;
	_ =	strace $0xD0000000  }
0x3: {  	_ = 	snop  }
0x4: {  	_ = 	snop  }
0x5: {  	_ = 	snop  }
0x6: {  	_ = 	snop  }
0x7: {  	_ = 	snop  }
__scs_overlays_trampoline_lowered:
0x8: {  	[smem:$0x3FAD] =	sst s0  }
0x9: {  	[smem:$0x3FAE] =	sst s1  }
0xa: {  	[smem:$0x3FAF] =	sst s2  }
0xb: {  	[smem:$0x3FB0] =	sst s3  }
0xc: {  	[smem:$0x3FB1] =	sst s4  }
0xd: {  	[smem:$0x3FB2] =	sst s5  }
0xe: {  	[smem:$0x3FB3] =	sst s6  }
0xf: {  	[smem:$0x3FB4] =	sst s7  }
0x10: {  	[smem:$0x3FB5] =	sst s8  }
0x11: {  	[smem:$0x3FB6] =	sst s9;
	s0 =	simm.s32 @!p0 $0x0  }
0x12: {  	s1 =	sld [smem:$0x3F9C];
	s0 =	simm.s32 @p0 $0x1  }
0x13: {  	[smem:$0x3FB7] =	sst s0;
	s0 =	simm.s32 @!p1 $0x0  }
0x14: {  	s2 =	sld [smem:$0x3F9B];
	s0 =	simm.s32 @p1 $0x1  }
0x15: {  	[smem:$0x3FB8] =	sst s0;
	s0 =	simm.s32 @!p2 $0x0  }
0x16: {  	s3 =	sld [smem:$0x3FDB];
	s0 =	simm.s32 @p2 $0x1  }
0x17: {  	s4 =	simm.s32 $0x1BF5;
	[smem:$0x3FBA] =	sst s0  }
0x18: {  	s0 =	sld [smem:$0x3F9D];
	_ =	swait.ge [sflag:s4], $0x0  }
0x19: {  	s7 =	sld [smem:$0x3F9E]  }
0x1a: {  	s8 =	sadd.s32 $0xFFFFE003, lr  }
0x1b: {  	s9 =	sadd.s32 $0xFFFFFEF7, lr;
	s5 =	simm.s32 $0xFFFFFFFF;
	p2 =	slt.u32 s8, $0xFFFFF086  }
0x1c: {  	p1 =	slt.u32 s9, $0xF7A;
	s5 =	simm.s32 @!p2 $0x0  }
0x1d: {  	s5 =	simm.s32 @p1 $0x1;
	p0 =	seq.s32 s7, s2  }
0x1e: {  	s7 =	smul.u32 @!p0 $0xF7A, s2;
	p2 =	seq.s32 @!p0 s5, $0x0  }
0x1f: {  	s9 =	smul.u32 $0xF7A, s1;
	s8 =	simm.s32 @!p0 $0x1BF5;
	p2 =	por !p2, p0  }
0x20: {  	[sflag:s8] =	ssyncset.s32 @!p0 $0xFFFFF086;
	s6 =	sadd.s32 @!p0 s3, s7;
	s7 =	simm.s32 @!p0 $0x108  }
0x21: {  	s3 =	sadd.s32 s3, s9;
	s6 =	sadd.s32 @!p0 $0x88, s6;
	s7 =	simm.s32 @p2 $0x1082  }
0x22: {  	[simem:s7], [sflag:s8] =	dma.local @!p0 [hbm:s6], $0xF7A  }
0x23: {  	s9 =	sor.u32 $0xD0000000, s2;
	s6 =	simm.s32 $0x108;
	_ =	swait.ge @!p0 [sflag:s8], $0x0  }
0x24: {  	s3 =	sadd.s32 $0x88, s3;
	s6 =	simm.s32 @!p1 $0x1082;
	[sflag:s4] =	ssyncset.s32 $0xFFFFF086  }
0x25: {  	[simem:s6], [sflag:s4] =	dma.local [hbm:s3], $0xF7A  }
0x26: {  	[smem:$0x3F9E] =	sst s1;
	(tag) =	ssettag s2;
	_ =	strace s9  }
0x27: {  	s1 =	sld [smem:$0x3FAE]  }
0x28: {  	s2 =	sld [smem:$0x3FAF]  }
0x29: {  	s4 =	sld [smem:$0x3FB1]  }
0x2a: {  	p0 =	seq.s32 s5, $0x0;
	s5 =	sld [smem:$0x3FB2]  }
0x2b: {  	s6 =	sld [smem:$0x3FB3]  }
0x2c: {  	s7 =	sld [smem:$0x3FB4]  }
0x2d: {  	s3 =	simm.s32 $0x108;
	s8 =	sld [smem:$0x3FB5]  }
0x2e: {  	s3 =	simm.s32 @!p0 $0x1082;
	s9 =	sld [smem:$0x3FB6]  }
0x2f: {  	lr =	sadd.s32 s0, s3;
	s0 =	sld [smem:$0x3FAD]  }
0x30: {  	s3 =	sld [smem:$0x3FB0]  }
0x31: {  	[smem:$0x3FB9] =	sst s10  }
0x32: {  	s10 =	sld [smem:$0x3FB7];
	_ =	sdelay $0x3  }
0x33: {  	p0 =	seq.s32 s10, $0x1;
	s10 =	sld [smem:$0x3FB9];
	_ =	sdelay $0x3  }
0x34: {  	[smem:$0x3FB9] =	sst s10  }
0x35: {  	s10 =	sld [smem:$0x3FB8];
	_ =	sdelay $0x3  }
0x36: {  	p1 =	seq.s32 s10, $0x1;
	s10 =	sld [smem:$0x3FB9];
	_ =	sdelay $0x3  }
0x37: {  	[smem:$0x3FB9] =	sst s10  }
0x38: {  	s10 =	sld [smem:$0x3FBA]  }
0x39: {  	_ = 	snop;
	(pc) =	sbr.ind lr, $3  }
0x3a: {  	_ = 	snop  }
0x3b: {  	_ = 	snop  }
0x3c: {  	p2 =	seq.s32 s10, $0x1;
	s10 =	sld [smem:$0x3FB9]  }
0x3d: {  	_ =	shalt  }
0x3e: {  	_ =	shalt  }
0x3f: {  	_ =	shalt  }
0x40: {  	_ =	shalt  }
0x41: {  	_ =	shalt  }
0x42: {  	_ =	shalt  }
0x43: {  	_ =	shalt  }
0x44: {  	_ =	shalt  }
0x45: {  	_ =	shalt  }
0x46: {  	_ =	shalt  }
0x47: {  	_ =	shalt  }
0x48: {  	_ =	shalt  }
0x49: {  	_ =	shalt  }
0x4a: {  	_ =	shalt  }
0x4b: {  	_ =	shalt  }
0x4c: {  	_ =	shalt  }
0x4d: {  	_ =	shalt  }
0x4e: {  	_ =	shalt  }
0x4f: {  	_ =	shalt  }
0x50: {  	_ =	shalt  }
0x51: {  	_ =	shalt  }
0x52: {  	_ =	shalt  }
0x53: {  	_ =	shalt  }
0x54: {  	_ =	shalt  }
0x55: {  	_ =	shalt  }
0x56: {  	_ =	shalt  }
0x57: {  	_ =	shalt  }
0x58: {  	_ =	shalt  }
0x59: {  	_ =	shalt  }
0x5a: {  	_ =	shalt  }
0x5b: {  	_ =	shalt  }
0x5c: {  	_ =	shalt  }
0x5d: {  	_ =	shalt  }
0x5e: {  	_ =	shalt  }
0x5f: {  	_ =	shalt  }
0x60: {  	_ =	shalt  }
0x61: {  	_ =	shalt  }
0x62: {  	_ =	shalt  }
0x63: {  	_ =	shalt  }
0x64: {  	_ =	shalt  }
0x65: {  	_ =	shalt  }
0x66: {  	_ =	shalt  }
0x67: {  	_ =	shalt  }
0x68: {  	_ =	shalt  }
0x69: {  	_ =	shalt  }
0x6a: {  	_ =	shalt  }
0x6b: {  	_ =	shalt  }
0x6c: {  	_ =	shalt  }
0x6d: {  	_ =	shalt  }
0x6e: {  	_ =	shalt  }
0x6f: {  	_ =	shalt  }
0x70: {  	_ =	shalt  }
0x71: {  	_ =	shalt  }
0x72: {  	_ =	shalt  }
0x73: {  	_ =	shalt  }
0x74: {  	_ =	shalt  }
0x75: {  	_ =	shalt  }
0x76: {  	_ =	shalt  }
0x77: {  	_ =	shalt  }
0x78: {  	_ =	shalt  }
0x79: {  	_ =	shalt  }
0x7a: {  	_ =	shalt  }
0x7b: {  	_ =	shalt  }
0x7c: {  	_ =	shalt  }
0x7d: {  	_ =	shalt  }
0x7e: {  	_ =	shalt  }
0x7f: {  	_ =	shalt  }
0x80: {  	_ =	shalt  }
0x81: {  	_ =	shalt  }
0x82: {  	_ =	shalt  }
0x83: {  	_ =	shalt  }
0x84: {  	_ =	shalt  }
0x85: {  	_ =	shalt  }
0x86: {  	_ =	shalt  }
0x87: {  	_ =	shalt  }
.Lfunc_end0:
.L_simem_size_0:
called_computation.1_lowered:
.L_overlay_start_0:
0x88: {  	s2 =	sld [smem:$0x3FD9]  }
0x89: {  	s3 =	sld [smem:$0x3FFE];
	_ =	sdelay $0x1  }
0x8a: {  	s1 =	srdreg.scid  }
0x8b: {  	s0 =	sand.u32 $0x1, s1  }
0x8c: {  	s17 =	sshll.u32 s0, $0xA;
	s2 =	sadd.s32 s3, s2  }
0x8d: {  	s2 =	sadd.s32 s2, s17  }
0x8e: {  	[smem:$0x3FC5] =	sst s2  }
0x8f: {  	_ = 	snop  }
0x90: {  	s2 =	sld [smem:$0x3FD0];
	(tm) =	ssettm $0x1  }
0x91: {  	s18 =	sld [smem:$0x3FFB];
	_ =	sdelay $0x3  }
0x92: {  	_ =	strace s18  }
0x93: {  	s3 =	sld [smem:$0x3FFC];
	_ =	sdelay $0x3  }
0x94: {  	_ =	strace s3  }
0x95: {  	s3 =	sld [smem:$0x3FFD];
	_ =	sdelay $0x3  }
0x96: {  	_ =	strace s3  }
0x97: {  	_ =	strace $0x8FFFFFFF  }
0x98: {  	s19 =	sld [smem:$0x3FDB];
	_ =	sdelay $0x1  }
0x99: {  	s4 =	simm.s32 $_scs_section_size  }
0x9a: {  	s5 =	simm.s32 $_size__tile_overlayer_lowered;
	s6 =	simm.s32 $_tile_overlayer_lowered  }
0x9b: {  	s22 =	simm.s32 $0x1BFF;
	s21 =	sshll.u32 s6, $0x1;
	s3 =	sadd.s32 s4, s19  }
0x9c: {  	s7 =	simm.s32 $0x0;
	s20 =	sshll.u32 s5, $0x1;
	s5 =	sadd.s32 s21, s3  }
0x9d: {  	[timem:s7], [sflag:s22] =	dma.local [hbm:s5], s20  }
0x9e: {  	_ =	swait.ge [sflag:s22], s20  }
0x9f: {  	s4 =	ssub.s32 $0x0, s20;
	[sflag:s22] =	ssyncset.done $0x0  }
0xa0: {  	[sflag:s22] =	ssyncadd.s32 s4;
	_ =	sdelay $0x1  }
0xa1: {  	s23 =	simm.s32 $0x1B8B  }
0xa2: {  	_ =	swait.ge [sflag:s23], $0x1  }
0xa3: {  	[sflag:s23] =	ssyncset.done $0x0  }
0xa4: {  	s25 =	simm.s32 $0x1B8E;
	s24 =	sld [smem:$0x3FFE];
	[sflag:s23] =	ssyncadd.s32 $0xFFFFFFFF  }
0xa5: {  	s26 =	simm.s32 $execute0_lowered;
	[smem:$0x3FD2] =	sst s25  }
0xa6: {  	s5 =	sshll.u32 s26, $0x1;
	_ =	strace $0x80000046;
	[dreg:$0x1] =	wrdreg $0xFFFFFFFF  }
0xa7: {  	s28 =	simm.s32 $_size_execute0_lowered;
	s3 =	sadd.s32 s3, s5;
	[dreg:$0x0] =	wrdreg $0x0  }
0xa8: {  	s5 =	sshll.u32 s28, $0x1;
	[dreg:$0x2] =	wrdreg s3  }
0xa9: {  	[dreg:$0x3] =	wrdreg s5  }
0xaa: {  	[dreg:$0x4] =	wrdreg $0xC0  }
0xab: {  	_ =	task [dreg:s7], $0x5FFFF  }
0xac: {  	[dreg:$0x1] =	wrdreg $0xFFFFFFFF  }
0xad: {  	[dreg:$0x0] =	wrdreg $0x60  }
0xae: {  	[dreg:$0x2] =	wrdreg s24  }
0xaf: {  	[dreg:$0x3] =	wrdreg s2  }
0xb0: {  	[dreg:$0x4] =	wrdreg $0x9  }
0xb1: {  	_ =	task.clear_ibuf [dreg:s7], $0x5FFFF;
	_ =	strace $0x90000046  }
0xb2: {  	s29 =	simm.s32 $0x9;
	_ =	strace $0x80000048  }
0xb3: {  	_ =	swait.ge [sflag:s29], $0x1  }
0xb4: {  	[sflag:s29] =	ssyncadd.s32 $0xFFFFFFFF  }
0xb5: {  	_ =	strace $0x90000048  }
0xb6: {  	_ =	sfence  }
0xb7: {  	s30 =	sld [smem:$0x0];
	_ =	sdelay $0x2  }
0xb8: {  	s31 =	sshll.u32 s1, $0xD;
	s1 =	sshrl.u32 s1, $0x2  }
0xb9: {  	s3 =	sand.u32 $0x4000, s31;
	s1 =	sadd.s32 s1, s30  }
0xba: {  	s0 =	sor.u32 s3, s0;
	s1 =	sshll.u32 s1, $0x11  }
0xbb: {  	s0 =	sor.u32 s1, s0  }
0xbc: {  	s0 =	sadd.s32 $0x8F2B, s0  }
0xbd: {  	[sflag:s0] =	ssyncadd.remote.s32 $0x1  }
0xbe: {  	_ =	sfence.sel $0xFFFF  }
0xbf: {  	[dreg:$0x0] =	wrdreg $0xFFFFFFFF;
	(pc) =	sbr.abs _section_cstart, $3  }
0xc0: {  	[dreg:$0x1] =	wrdreg $0xFFFFFFFF  }
0xc1: {  	_ =	task.clear_ibuf [dreg:s7], $0x2FFFF;
	_ =	strace $0x9FFFFFFF  }
0xc2: {  	(tm) =	ssettm $0x7FFFFFFF  }
0xc3: {  	_ =	shalt  }
tec
execute0_lowered:
.L_overlay_start_1:
0x0: {  	(tag) =	ssettag $0x1  }
0x1: {  	s1 =	srdreg.scid;
	s6 =	rddreg [dreg:$0x0]  }
0x2: {  	s0 =	stileid.u32;
	s2 =	rddreg [dreg:$0x1]  }
0x3: {  	s4 =	simm.s32 $0x0;
	s10 =	simm.s32 $0x5;
	s11 =	simm.s32 $0x190  }
0x4: {  	s12 =	simm.s32 $0x6400;
	s13 =	simm.s32 $0x1;
	s14 =	simm.s32 $0xC800  }
0x5: {  	s15 =	simm.s32 $0x2;
	s5 =	sand.u32 $0x1, s1;
	s31 =	sshll.u32 s0, $0x1  }
0x6: {  	s16 =	simm.s32 $0x3;
	s17 =	simm.s32 $0x4;
	s1 =	sor.u32 s5, s31  }
0x7: {  	s18 =	simm.s32 $0x0;
	[smem:$0x7FF] =	sst s4;
	s3 =	smul.u32 $0x6400, s1  }
0x8: {  	s8 =	ssub.s32 $0x2, s5;
	s5 =	sadd.s32 $0xF43000, s6;
	s1 =	rddreg [dreg:$0x2]  }
0x9: {  	_ =	strace $0x80000047;
	s9 =	sshrl.u32 s8, $0x1;
	s7 =	sshrl.u32 s3, $0x3  }
0xa: {  	s8 =	ssub.s32 s8, s9;
	s9 =	simm.s32 $0x12C00;
	s7 =	sadd.s32 s7, s6  }
0xb: {  	s8 =	smax.u32 s8, $0x1;
	s6 =	sadd.s32 $0x19C00, s6;
	s7 =	sadd.s32 $0xC00, s7  }
.LBB2_1:
0xc: {  	[tilespmem:s9], [sflag:$0x5] =	stream.linear.gather [hbm4b:s6+s4], $0x3200, $0x38;
	[tilespmem:$0x15E00] =	vst v63  }
0xd: {  	_ =	swait.ge [sflag:s10], $0x3200  }
0xe: {  	[sflag:s10] =	ssyncset.done $0x0  }
0xf: {  	[sflag:s10] =	ssyncadd.s32 $0xFFFFCE00  }
0x10: {  	[tilespmem:s4], [sflag:$0x5] =	stream.linear.gather [hbm4b:s7+s4], $0x6400, $0x38;
	[tilespmem:$0x15E00] =	vst v63  }
0x11: {  	_ =	swait.ge [sflag:s10], $0x6400  }
0x12: {  	[sflag:s10] =	ssyncset.done $0x0  }
0x13: {  	s19 =	simm.s32 $0x0;
	[sflag:s10] =	ssyncadd.s32 $0xFFFF9C00  }
0x14: {  	[tilespmem:s12], [sflag:$0x1] =	stream.indirect.gather [hbm4b:s5+s11], $0x40, s4, s11, $0xb8;
	[tilespmem:$0x15E00] =	vst v63  }
.LBB2_2:
0x15: {  	_ =	swait.ge [sflag:s13], $0x6400  }
0x16: {  	p0 =	seq.s32 s19, $0x0;
	[sflag:s13] =	ssyncset.done $0x0  }
0x17: {  	s20 =	sshllo.u32 s19, $0x1;
	s21 =	simm.s32 @!p0 $0x4;
	[sflag:s13] =	ssyncadd.s32 $0xFFFF9C00  }
0x18: {  	s22 =	smul.u32 $0x640, s20;
	_ =	swait.ge @!p0 [sflag:s21], $0x6400  }
0x19: {  	[sflag:s21] =	ssyncset.done @!p0 $0x0  }
0x1a: {  	s31 =	sshra.s32 s22, $0x2;
	[sflag:s21] =	ssyncadd.s32 @!p0 $0xFFFF9C00;
	s21 =	simm.s32 $0x12C40  }
0x1b: {  	[tilespmem:s14], [sflag:$0x2] =	stream.indirect.gather [hbm4b:s5+s11], $0x40, s31, s11, $0xb8;
	[tilespmem:$0x15E00] =	vst v63  }
0x1c: {  	s22 =	simm.s32 $0x9670;
	v0 =	vld [tilespmem:s21+$0xFFFFFFC0]  }
0x1d: {  	v1 =	vld [tilespmem:s22+$0xFFFFCD90]  }
0x1e: {  	v2 =	vld [tilespmem:s22+$0xFFFFFF90];
	_ =	sdelay $0x3  }
0x1f: {  	v1 =	vadd.f32 v1, v0  }
0x20: {  	v0 =	vadd.f32 v2, v0  }
0x21: {  	[tilespmem:s22+$0xFFFFCD90] =	vst v1  }
0x22: {  	[tilespmem:s22+$0xFFFFFF90] =	vst v0;
	v0 =	vld [tilespmem:s22+$0xFFFFCDA0]  }
0x23: {  	v1 =	vld [tilespmem:s21+$0xFFFFFFD0]  }
0x24: {  	v2 =	vld [tilespmem:s22+$0xFFFFFFA0];
	_ =	sdelay $0x3  }
0x25: {  	v0 =	vadd.f32 v0, v1  }
0x26: {  	v1 =	vadd.f32 v2, v1  }
0x27: {  	[tilespmem:s22+$0xFFFFCDA0] =	vst v0  }
0x28: {  	[tilespmem:s22+$0xFFFFFFA0] =	vst v1;
	v1 =	vld [tilespmem:s22+$0xFFFFCDB0]  }
0x29: {  	v2 =	vld [tilespmem:s21+$0xFFFFFFE0]  }
0x2a: {  	v0 =	vld [tilespmem:s22+$0xFFFFFFB0];
	_ =	sdelay $0x3  }
0x2b: {  	v1 =	vadd.f32 v1, v2  }
0x2c: {  	v0 =	vadd.f32 v0, v2  }
0x2d: {  	[tilespmem:s22+$0xFFFFCDB0] =	vst v1  }
0x2e: {  	[tilespmem:s22+$0xFFFFFFB0] =	vst v0;
	v0 =	vld [tilespmem:s22+$0xFFFFCDC0]  }
0x2f: {  	v2 =	vld [tilespmem:s21+$0xFFFFFFF0]  }
0x30: {  	v1 =	vld [tilespmem:s22+$0xFFFFFFC0];
	_ =	sdelay $0x3  }
0x31: {  	v0 =	vadd.f32 v0, v2  }
0x32: {  	v1 =	vadd.f32 v1, v2  }
0x33: {  	[tilespmem:s22+$0xFFFFCDC0] =	vst v0  }
0x34: {  	[tilespmem:s22+$0xFFFFFFC0] =	vst v1;
	v1 =	vld [tilespmem:s22+$0xFFFFCDD0]  }
0x35: {  	v2 =	vld [tilespmem:s21+$0x0]  }
0x36: {  	v0 =	vld [tilespmem:s22+$0xFFFFFFD0];
	_ =	sdelay $0x3  }
0x37: {  	v1 =	vadd.f32 v1, v2  }
0x38: {  	v0 =	vadd.f32 v0, v2  }
0x39: {  	[tilespmem:s22+$0xFFFFCDD0] =	vst v1  }
0x3a: {  	[tilespmem:s22+$0xFFFFFFD0] =	vst v0;
	v0 =	vld [tilespmem:s22+$0xFFFFCDE0]  }
0x3b: {  	v2 =	vld [tilespmem:s21+$0x10]  }
0x3c: {  	v1 =	vld [tilespmem:s22+$0xFFFFFFE0];
	_ =	sdelay $0x3  }
0x3d: {  	v0 =	vadd.f32 v0, v2  }
0x3e: {  	v1 =	vadd.f32 v1, v2  }
0x3f: {  	[tilespmem:s22+$0xFFFFCDE0] =	vst v0  }
0x40: {  	[tilespmem:s22+$0xFFFFFFE0] =	vst v1;
	v0 =	vld [tilespmem:s22+$0xFFFFCDF0]  }
0x41: {  	v1 =	vld [tilespmem:s21+$0x20]  }
0x42: {  	v2 =	vld [tilespmem:s22+$0xFFFFFFF0];
	_ =	sdelay $0x3  }
0x43: {  	v0 =	vadd.f32 v0, v1  }
0x44: {  	v1 =	vadd.f32 v2, v1  }
0x45: {  	[tilespmem:s22+$0xFFFFCDF0] =	vst v0;
	v0 =	vld [tilespmem:s22+$0xFFFFCE00]  }
0x46: {  	[tilespmem:s22+$0xFFFFFFF0] =	vst v1;
	v1 =	vld [tilespmem:s22+$0x0]  }
0x47: {  	s24 =	simm.s32 $0x0;
	s23 =	simm.s32 $0x9670;
	v2 =	vld [tilespmem:s21+$0x30]  }
.LBB2_3:
0x48: {  	s24 =	sadd.s32 $0x2, s24;
	s22 =	sadd.s32 $0x80, s22;
	s21 =	sadd.s32 $0x80, s21  }
0x49: {  	p0 =	slt.u32 s24, $0xC6;
	_ =	sdelay $0x2  }
0x4a: {  	v0 =	vadd.f32 v0, v2;
	v1 =	vadd.f32 v1, v2;
	_ =	sdelay $0x1  }
0x4b: {  	[tilespmem:s23+$0xFFFFCE00] =	vst v0  }
0x4c: {  	v0 =	vld [tilespmem:s22+$0xFFFFFF90];
	[tilespmem:s23+$0x0] =	vst v1;
	s23 =	smov.u32 s22  }
0x4d: {  	v1 =	vld [tilespmem:s21+$0xFFFFFFC0]  }
0x4e: {  	v2 =	vld [tilespmem:s22+$0xFFFFCD90];
	_ =	sdelay $0x3  }
0x4f: {  	v0 =	vadd.f32 v0, v1  }
0x50: {  	v1 =	vadd.f32 v2, v1  }
0x51: {  	[tilespmem:s22+$0xFFFFFF90] =	vst v0;
	v0 =	vld [tilespmem:s22+$0xFFFFFFA0]  }
0x52: {  	[tilespmem:s22+$0xFFFFCD90] =	vst v1;
	v1 =	vld [tilespmem:s22+$0xFFFFCDA0]  }
0x53: {  	v2 =	vld [tilespmem:s21+$0xFFFFFFD0];
	_ =	sdelay $0x4  }
0x54: {  	v1 =	vadd.f32 v1, v2;
	v0 =	vadd.f32 v0, v2;
	_ =	sdelay $0x1  }
0x55: {  	[tilespmem:s22+$0xFFFFCDA0] =	vst v1;
	v1 =	vld [tilespmem:s22+$0xFFFFFFB0]  }
0x56: {  	[tilespmem:s22+$0xFFFFFFA0] =	vst v0;
	v0 =	vld [tilespmem:s22+$0xFFFFCDB0]  }
0x57: {  	v2 =	vld [tilespmem:s21+$0xFFFFFFE0];
	_ =	sdelay $0x4  }
0x58: {  	v0 =	vadd.f32 v0, v2;
	v1 =	vadd.f32 v1, v2;
	_ =	sdelay $0x1  }
0x59: {  	[tilespmem:s22+$0xFFFFCDB0] =	vst v0;
	v0 =	vld [tilespmem:s22+$0xFFFFFFC0]  }
0x5a: {  	[tilespmem:s22+$0xFFFFFFB0] =	vst v1;
	v1 =	vld [tilespmem:s22+$0xFFFFCDC0]  }
0x5b: {  	v2 =	vld [tilespmem:s21+$0xFFFFFFF0];
	_ =	sdelay $0x4  }
0x5c: {  	v1 =	vadd.f32 v1, v2;
	v0 =	vadd.f32 v0, v2;
	_ =	sdelay $0x1  }
0x5d: {  	[tilespmem:s22+$0xFFFFCDC0] =	vst v1;
	v1 =	vld [tilespmem:s22+$0xFFFFFFD0]  }
0x5e: {  	[tilespmem:s22+$0xFFFFFFC0] =	vst v0;
	v0 =	vld [tilespmem:s22+$0xFFFFCDD0]  }
0x5f: {  	v2 =	vld [tilespmem:s21+$0x0];
	_ =	sdelay $0x4  }
0x60: {  	v0 =	vadd.f32 v0, v2;
	v1 =	vadd.f32 v1, v2;
	_ =	sdelay $0x1  }
0x61: {  	[tilespmem:s22+$0xFFFFCDD0] =	vst v0;
	v0 =	vld [tilespmem:s22+$0xFFFFFFE0]  }
0x62: {  	[tilespmem:s22+$0xFFFFFFD0] =	vst v1;
	v1 =	vld [tilespmem:s22+$0xFFFFCDE0]  }
0x63: {  	v2 =	vld [tilespmem:s21+$0x10];
	_ =	sdelay $0x3  }
0x64: {  	v3 =	vld [tilespmem:s22+$0xFFFFFFF0]  }
0x65: {  	v1 =	vadd.f32 v1, v2;
	v0 =	vadd.f32 v0, v2;
	_ =	sdelay $0x1  }
0x66: {  	[tilespmem:s22+$0xFFFFCDE0] =	vst v1  }
0x67: {  	[tilespmem:s22+$0xFFFFFFE0] =	vst v0;
	v0 =	vld [tilespmem:s22+$0xFFFFCDF0]  }
0x68: {  	v1 =	vld [tilespmem:s21+$0x20];
	_ =	sdelay $0x4  }
.Ltmp0:
0x69: {  	v0 =	vadd.f32 v0, v1;
	v1 =	vadd.f32 v3, v1;
	(pc) =	sbr.rel @p0 .LBB2_3-.Ltmp0, $4  }
0x6a: {  	_ = 	snop  }
0x6b: {  	[tilespmem:s22+$0xFFFFCDF0] =	vst v0;
	v0 =	vld [tilespmem:s22+$0xFFFFCE00]  }
0x6c: {  	[tilespmem:s22+$0xFFFFFFF0] =	vst v1;
	v1 =	vld [tilespmem:s22+$0x0]  }
0x6d: {  	v2 =	vld [tilespmem:s21+$0x30]  }
0x6e: {  	_ =	sdelay $0x2  }
0x6f: {  	s21 =	smul.u32 $0x320, s19  }
0x70: {  	v0 =	vadd.f32 v0, v2  }
0x71: {  	s21 =	sadd.s32 s3, s21;
	v1 =	vadd.f32 v1, v2  }
0x72: {  	s21 =	sshll.u32 s21, $0x3;
	[tilespmem:s23+$0xFFFFCE00] =	vst v0  }
0x73: {  	s21 =	sadd.s32 s2, s21;
	[tilespmem:s23+$0x0] =	vst v1  }
0x74: {  	[hbm4b:s21+s4] =	stream.linear.scatter [tilespmem:s12], [sflag:$0x3], $0x6400, $0x38;
	[tilespmem:$0x15E00] =	vst v63  }
0x75: {  	_ =	swait.ge [sflag:s15], $0x6400  }
0x76: {  	p0 =	seq.s32 s19, $0x1F;
	[sflag:s15] =	ssyncset.done $0x0  }
0x77: {  	s21 =	simm.s32 @!p0 $0x3;
	[sflag:s15] =	ssyncadd.s32 $0xFFFF9C00  }
0x78: {  	s22 =	smul.u32 @!p0 $0xC80, s19;
	_ =	swait.ge @!p0 [sflag:s21], $0x6400  }
0x79: {  	[sflag:s21] =	ssyncset.done @!p0 $0x0  }
0x7a: {  	[sflag:s21] =	ssyncadd.s32 @!p0 $0xFFFF9C00;
	s21 =	sshra.s32 @!p0 s22, $0x2  }
0x7b: {  	s23 =	simm.s32 @!p0 $0x6400;
	s22 =	simm.s32 @!p0 $0x190;
	s21 =	sadd.s32 @!p0 $0x320, s21  }
0x7c: {  	[tilespmem:s23], [sflag:$0x1] =	stream.indirect.gather @!p0 [hbm4b:s5+s22], $0x40, s21, s22, $0xb8;
	[tilespmem:$0x15E00] =	vst v63  }
0x7d: {  	s21 =	simm.s32 $0x12C40  }
0x7e: {  	s22 =	simm.s32 $0xFA70;
	v0 =	vld [tilespmem:s21+$0xFFFFFFC0]  }
0x7f: {  	v1 =	vld [tilespmem:s22+$0xFFFFCD90]  }
0x80: {  	v2 =	vld [tilespmem:s22+$0xFFFFFF90];
	_ =	sdelay $0x3  }
0x81: {  	v1 =	vadd.f32 v1, v0  }
0x82: {  	v0 =	vadd.f32 v2, v0  }
0x83: {  	[tilespmem:s22+$0xFFFFCD90] =	vst v1  }
0x84: {  	[tilespmem:s22+$0xFFFFFF90] =	vst v0;
	v0 =	vld [tilespmem:s22+$0xFFFFCDA0]  }
0x85: {  	v1 =	vld [tilespmem:s21+$0xFFFFFFD0]  }
0x86: {  	v2 =	vld [tilespmem:s22+$0xFFFFFFA0];
	_ =	sdelay $0x3  }
0x87: {  	v0 =	vadd.f32 v0, v1  }
0x88: {  	v1 =	vadd.f32 v2, v1  }
0x89: {  	[tilespmem:s22+$0xFFFFCDA0] =	vst v0  }
0x8a: {  	[tilespmem:s22+$0xFFFFFFA0] =	vst v1;
	v1 =	vld [tilespmem:s22+$0xFFFFCDB0]  }
0x8b: {  	v2 =	vld [tilespmem:s21+$0xFFFFFFE0]  }
0x8c: {  	v0 =	vld [tilespmem:s22+$0xFFFFFFB0];
	_ =	sdelay $0x3  }
0x8d: {  	v1 =	vadd.f32 v1, v2  }
0x8e: {  	v0 =	vadd.f32 v0, v2  }
0x8f: {  	[tilespmem:s22+$0xFFFFCDB0] =	vst v1  }
0x90: {  	[tilespmem:s22+$0xFFFFFFB0] =	vst v0;
	v0 =	vld [tilespmem:s22+$0xFFFFCDC0]  }
0x91: {  	v2 =	vld [tilespmem:s21+$0xFFFFFFF0]  }
0x92: {  	v1 =	vld [tilespmem:s22+$0xFFFFFFC0];
	_ =	sdelay $0x3  }
0x93: {  	v0 =	vadd.f32 v0, v2  }
0x94: {  	v1 =	vadd.f32 v1, v2  }
0x95: {  	[tilespmem:s22+$0xFFFFCDC0] =	vst v0  }
0x96: {  	[tilespmem:s22+$0xFFFFFFC0] =	vst v1;
	v1 =	vld [tilespmem:s22+$0xFFFFCDD0]  }
0x97: {  	v2 =	vld [tilespmem:s21+$0x0]  }
0x98: {  	v0 =	vld [tilespmem:s22+$0xFFFFFFD0];
	_ =	sdelay $0x3  }
0x99: {  	v1 =	vadd.f32 v1, v2  }
0x9a: {  	v0 =	vadd.f32 v0, v2  }
0x9b: {  	[tilespmem:s22+$0xFFFFCDD0] =	vst v1  }
0x9c: {  	[tilespmem:s22+$0xFFFFFFD0] =	vst v0;
	v0 =	vld [tilespmem:s22+$0xFFFFCDE0]  }
0x9d: {  	v2 =	vld [tilespmem:s21+$0x10]  }
0x9e: {  	v1 =	vld [tilespmem:s22+$0xFFFFFFE0];
	_ =	sdelay $0x3  }
0x9f: {  	v0 =	vadd.f32 v0, v2  }
0xa0: {  	v1 =	vadd.f32 v1, v2  }
0xa1: {  	[tilespmem:s22+$0xFFFFCDE0] =	vst v0  }
0xa2: {  	[tilespmem:s22+$0xFFFFFFE0] =	vst v1;
	v0 =	vld [tilespmem:s22+$0xFFFFCDF0]  }
0xa3: {  	v1 =	vld [tilespmem:s21+$0x20]  }
0xa4: {  	v2 =	vld [tilespmem:s22+$0xFFFFFFF0];
	_ =	sdelay $0x3  }
0xa5: {  	v0 =	vadd.f32 v0, v1  }
0xa6: {  	v1 =	vadd.f32 v2, v1  }
0xa7: {  	[tilespmem:s22+$0xFFFFCDF0] =	vst v0;
	v0 =	vld [tilespmem:s22+$0xFFFFCE00]  }
0xa8: {  	[tilespmem:s22+$0xFFFFFFF0] =	vst v1;
	v1 =	vld [tilespmem:s22+$0x0]  }
0xa9: {  	s24 =	simm.s32 $0x0;
	s23 =	simm.s32 $0xFA70;
	v2 =	vld [tilespmem:s21+$0x30]  }
.LBB2_5:
0xaa: {  	s24 =	sadd.s32 $0x2, s24;
	s22 =	sadd.s32 $0x80, s22;
	s21 =	sadd.s32 $0x80, s21  }
0xab: {  	p0 =	slt.u32 s24, $0xC6;
	_ =	sdelay $0x2  }
0xac: {  	v0 =	vadd.f32 v0, v2;
	v1 =	vadd.f32 v1, v2;
	_ =	sdelay $0x1  }
0xad: {  	[tilespmem:s23+$0xFFFFCE00] =	vst v0  }
0xae: {  	v0 =	vld [tilespmem:s22+$0xFFFFFF90];
	[tilespmem:s23+$0x0] =	vst v1;
	s23 =	smov.u32 s22  }
0xaf: {  	v1 =	vld [tilespmem:s21+$0xFFFFFFC0]  }
0xb0: {  	v2 =	vld [tilespmem:s22+$0xFFFFCD90];
	_ =	sdelay $0x3  }
0xb1: {  	v0 =	vadd.f32 v0, v1  }
0xb2: {  	v1 =	vadd.f32 v2, v1  }
0xb3: {  	[tilespmem:s22+$0xFFFFFF90] =	vst v0;
	v0 =	vld [tilespmem:s22+$0xFFFFFFA0]  }
0xb4: {  	[tilespmem:s22+$0xFFFFCD90] =	vst v1;
	v1 =	vld [tilespmem:s22+$0xFFFFCDA0]  }
0xb5: {  	v2 =	vld [tilespmem:s21+$0xFFFFFFD0];
	_ =	sdelay $0x4  }
0xb6: {  	v1 =	vadd.f32 v1, v2;
	v0 =	vadd.f32 v0, v2;
	_ =	sdelay $0x1  }
0xb7: {  	[tilespmem:s22+$0xFFFFCDA0] =	vst v1;
	v1 =	vld [tilespmem:s22+$0xFFFFFFB0]  }
0xb8: {  	[tilespmem:s22+$0xFFFFFFA0] =	vst v0;
	v0 =	vld [tilespmem:s22+$0xFFFFCDB0]  }
0xb9: {  	v2 =	vld [tilespmem:s21+$0xFFFFFFE0];
	_ =	sdelay $0x4  }
0xba: {  	v0 =	vadd.f32 v0, v2;
	v1 =	vadd.f32 v1, v2;
	_ =	sdelay $0x1  }
0xbb: {  	[tilespmem:s22+$0xFFFFCDB0] =	vst v0;
	v0 =	vld [tilespmem:s22+$0xFFFFFFC0]  }
0xbc: {  	[tilespmem:s22+$0xFFFFFFB0] =	vst v1;
	v1 =	vld [tilespmem:s22+$0xFFFFCDC0]  }
0xbd: {  	v2 =	vld [tilespmem:s21+$0xFFFFFFF0];
	_ =	sdelay $0x4  }
0xbe: {  	v1 =	vadd.f32 v1, v2;
	v0 =	vadd.f32 v0, v2;
	_ =	sdelay $0x1  }
0xbf: {  	[tilespmem:s22+$0xFFFFCDC0] =	vst v1;
	v1 =	vld [tilespmem:s22+$0xFFFFFFD0]  }
0xc0: {  	[tilespmem:s22+$0xFFFFFFC0] =	vst v0;
	v0 =	vld [tilespmem:s22+$0xFFFFCDD0]  }
0xc1: {  	v2 =	vld [tilespmem:s21+$0x0];
	_ =	sdelay $0x4  }
0xc2: {  	v0 =	vadd.f32 v0, v2;
	v1 =	vadd.f32 v1, v2;
	_ =	sdelay $0x1  }
0xc3: {  	[tilespmem:s22+$0xFFFFCDD0] =	vst v0;
	v0 =	vld [tilespmem:s22+$0xFFFFFFE0]  }
0xc4: {  	[tilespmem:s22+$0xFFFFFFD0] =	vst v1;
	v1 =	vld [tilespmem:s22+$0xFFFFCDE0]  }
0xc5: {  	v2 =	vld [tilespmem:s21+$0x10];
	_ =	sdelay $0x3  }
0xc6: {  	v3 =	vld [tilespmem:s22+$0xFFFFFFF0]  }
0xc7: {  	v1 =	vadd.f32 v1, v2;
	v0 =	vadd.f32 v0, v2;
	_ =	sdelay $0x1  }
0xc8: {  	[tilespmem:s22+$0xFFFFCDE0] =	vst v1  }
0xc9: {  	[tilespmem:s22+$0xFFFFFFE0] =	vst v0;
	v0 =	vld [tilespmem:s22+$0xFFFFCDF0]  }
0xca: {  	v1 =	vld [tilespmem:s21+$0x20];
	_ =	sdelay $0x4  }
.Ltmp1:
0xcb: {  	v0 =	vadd.f32 v0, v1;
	v1 =	vadd.f32 v3, v1;
	(pc) =	sbr.rel @p0 .LBB2_5-.Ltmp1, $4  }
0xcc: {  	_ = 	snop  }
0xcd: {  	[tilespmem:s22+$0xFFFFCDF0] =	vst v0;
	v0 =	vld [tilespmem:s22+$0xFFFFCE00]  }
0xce: {  	[tilespmem:s22+$0xFFFFFFF0] =	vst v1;
	v1 =	vld [tilespmem:s22+$0x0]  }
0xcf: {  	v2 =	vld [tilespmem:s21+$0x30]  }
0xd0: {  	_ =	sdelay $0x1  }
0xd1: {  	s20 =	smul.u32 $0x190, s20;
	s19 =	sadd.s32 $0x1, s19  }
0xd2: {  	p0 =	sne.s32 s19, $0x20  }
.Ltmp2:
0xd3: {  	s20 =	sadd.s32 s3, s20;
	v0 =	vadd.f32 v0, v2;
	(pc) =	sbr.rel @p0 .LBB2_2-.Ltmp2, $4  }
0xd4: {  	s20 =	sshll.u32 s20, $0x3;
	v1 =	vadd.f32 v1, v2  }
0xd5: {  	s20 =	sand.u32 $0x1FFFFF80, s20;
	[tilespmem:s23+$0xFFFFCE00] =	vst v0  }
0xd6: {  	s20 =	sadd.s32 s2, s20;
	[tilespmem:s23+$0x0] =	vst v1  }
0xd7: {  	[hbm4b:s20+s4] =	stream.linear.scatter [tilespmem:s14], [sflag:$0x4], $0x6400, $0x38;
	[tilespmem:$0x15E00] =	vst v63  }
0xd8: {  	s18 =	sadd.s32 $0x1, s18  }
0xd9: {  	_ =	swait.ge [sflag:s16], $0x6400;
	p0 =	sne.s32 s18, s8  }
.Ltmp3:
0xda: {  	[sflag:s16] =	ssyncset.done $0x0;
	(pc) =	sbr.rel @p0 .LBB2_1-.Ltmp3, $4  }
0xdb: {  	[sflag:s16] =	ssyncadd.s32 $0xFFFF9C00  }
0xdc: {  	_ =	swait.ge [sflag:s17], $0x6400  }
0xdd: {  	[sflag:s17] =	ssyncset.done $0x0  }
0xde: {  	[sflag:s17] =	ssyncadd.s32 $0xFFFF9C00  }
0xdf: {  	_ =	sfence.sel $0x180000  }
0xe0: {  	[bflag:$0x0] =	sbarrier.arrive $0xFFFF  }
0xe1: {  	p0 =	sne.s32 s0, $0x0;
	_ =	strace $0x90000047  }
0xe2: {  	s0 =	sadd.s32 @!p0 $0x100000, s1;
	[bflag:$0x2] =	sbarrier.arrive $0xFFFF  }
0xe3: {  	[sflag:s0] =	ssyncadd.tile.s32 @!p0 $0x1;
	_ =	shalt  }
.Lfunc_end2:
_tile_overlayer_lowered:
.L_overlay_start_2:
0xe4: {  	(tag) =	ssettag $0x2  }
0xe5: {  	s0 =	rddreg [dreg:$0x0];
	s2 =	stileid.u32  }
0xe6: {  	s1 =	rddreg [dreg:$0x1];
	p0 =	sne.s32 s2, $0x0  }
0xe7: {  	s3 =	rddreg [dreg:$0x2];
	[bflag:$0x3] =	sbarrier.arrive $0xFFFF;
	s2 =	simm.s32 @!p0 $0x1C05  }
0xe8: {  	[timem:s3], [sflag:s2] =	dma.local @!p0 [hbm:s0], s1  }
0xe9: {  	s0 =	simm.s32 @!p0 $0x5  }
0xea: {  	_ =	swait.ge @!p0 [sflag:s0], s1  }
0xeb: {  	s1 =	ssub.s32 @!p0 $0x0, s1;
	[sflag:s0] =	ssyncset.done @!p0 $0x0  }
0xec: {  	[sflag:s0] =	ssyncadd.s32 @!p0 s1  }
0xed: {  	[bflag:$0x3] =	sbarrier.arrive $0xFFFF  }
0xee: {  	_ =	shalt  }

// kernel: sparse-core-data-format-call.cloned.1.call-start
scs
called_computation_lowered:
.L_overlay_start_0:
0x0: {  	s2 =	sld [smem:$0x3FD9]  }
0x1: {  	s3 =	sld [smem:$0x3FFE];
	_ =	sdelay $0x1  }
0x2: {  	s1 =	srdreg.scid  }
0x3: {  	s0 =	sand.u32 $0x1, s1  }
0x4: {  	s18 =	sshll.u32 s0, $0xA;
	s2 =	sadd.s32 s3, s2  }
0x5: {  	s2 =	sadd.s32 s2, s18  }
0x6: {  	[smem:$0x3FC5] =	sst s2  }
0x7: {  	_ = 	snop  }
0x8: {  	s2 =	sld [smem:$0x3FD0];
	(tm) =	ssettm $0x1  }
0x9: {  	s19 =	sld [smem:$0x3FFB];
	_ =	sdelay $0x3  }
0xa: {  	_ =	strace s19  }
0xb: {  	s3 =	sld [smem:$0x3FFC];
	_ =	sdelay $0x3  }
0xc: {  	_ =	strace s3  }
0xd: {  	s3 =	sld [smem:$0x3FFD];
	_ =	sdelay $0x3  }
0xe: {  	_ =	strace s3  }
0xf: {  	_ =	strace $0x8FFFFFFF  }
0x10: {  	s20 =	sld [smem:$0x3FDB];
	_ =	sdelay $0x1  }
0x11: {  	s4 =	simm.s32 $_scs_section_size  }
0x12: {  	s5 =	simm.s32 $_size__tile_overlayer_lowered;
	s6 =	simm.s32 $_tile_overlayer_lowered  }
0x13: {  	s23 =	simm.s32 $0x1BFF;
	s22 =	sshll.u32 s6, $0x1;
	s3 =	sadd.s32 s4, s20  }
0x14: {  	s7 =	simm.s32 $0x0;
	s21 =	sshll.u32 s5, $0x1;
	s5 =	sadd.s32 s22, s3  }
0x15: {  	[timem:s7], [sflag:s23] =	dma.local [hbm:s5], s21  }
0x16: {  	_ =	swait.ge [sflag:s23], s21  }
0x17: {  	s4 =	ssub.s32 $0x0, s21;
	[sflag:s23] =	ssyncset.done $0x0  }
0x18: {  	[sflag:s23] =	ssyncadd.s32 s4;
	_ =	sdelay $0x1  }
0x19: {  	s24 =	simm.s32 $0x1B8B  }
0x1a: {  	_ =	swait.ge [sflag:s24], $0x1  }
0x1b: {  	[sflag:s24] =	ssyncset.done $0x0  }
0x1c: {  	s26 =	simm.s32 $0x1B8E;
	s25 =	sld [smem:$0x3FFE];
	[sflag:s24] =	ssyncadd.s32 $0xFFFFFFFF  }
0x1d: {  	s27 =	simm.s32 $execute0_lowered;
	[smem:$0x3FD2] =	sst s26  }
0x1e: {  	s5 =	sshll.u32 s27, $0x1;
	_ =	strace $0x80000049;
	[dreg:$0x1] =	wrdreg $0xFFFFFFFF  }
0x1f: {  	s28 =	simm.s32 $_size_execute0_lowered;
	s3 =	sadd.s32 s3, s5;
	[dreg:$0x0] =	wrdreg $0x0  }
0x20: {  	s5 =	sshll.u32 s28, $0x1;
	[dreg:$0x2] =	wrdreg s3  }
0x21: {  	[dreg:$0x3] =	wrdreg s5  }
0x22: {  	[dreg:$0x4] =	wrdreg $0xC0  }
0x23: {  	_ =	task [dreg:s7], $0x5FFFF  }
0x24: {  	[dreg:$0x1] =	wrdreg $0xFFFFFFFF  }
0x25: {  	[dreg:$0x0] =	wrdreg $0x60  }
0x26: {  	[dreg:$0x2] =	wrdreg s25  }
0x27: {  	[dreg:$0x3] =	wrdreg s2  }
0x28: {  	[dreg:$0x4] =	wrdreg $0x9  }
0x29: {  	_ =	task.clear_ibuf [dreg:s7], $0x5FFFF;
	_ =	strace $0x90000049  }
0x2a: {  	s29 =	simm.s32 $0x9;
	_ =	strace $0x8000004B  }
0x2b: {  	_ =	swait.ge [sflag:s29], $0x1  }
0x2c: {  	[sflag:s29] =	ssyncadd.s32 $0xFFFFFFFF  }
0x2d: {  	_ =	strace $0x9000004B  }
0x2e: {  	_ =	sfence  }
0x2f: {  	s30 =	sld [smem:$0x0];
	_ =	sdelay $0x2  }
0x30: {  	s31 =	sshll.u32 s1, $0xD;
	s1 =	sshrl.u32 s1, $0x2  }
0x31: {  	s3 =	sand.u32 $0x4000, s31;
	s1 =	sadd.s32 s1, s30  }
0x32: {  	s0 =	sor.u32 s3, s0;
	s1 =	sshll.u32 s1, $0x11  }
0x33: {  	s0 =	sor.u32 s1, s0  }
0x34: {  	s0 =	sadd.s32 $0x8F2B, s0  }
0x35: {  	[sflag:s0] =	ssyncadd.remote.s32 $0x1  }
0x36: {  	_ =	sfence.sel $0xFFFF  }
0x37: {  	[dreg:$0x0] =	wrdreg $0xFFFFFFFF;
	(pc) =	sbr.abs _section_cstart, $3  }
0x38: {  	[dreg:$0x1] =	wrdreg $0xFFFFFFFF  }
0x39: {  	_ =	task.clear_ibuf [dreg:s7], $0x2FFFF;
	_ =	strace $0x9FFFFFFF  }
0x3a: {  	(tm) =	ssettm $0x7FFFFFFF  }
0x3b: {  	_ =	shalt  }
tec
execute0_lowered:
.L_overlay_start_1:
0x0: {  	(tag) =	ssettag $0x1  }
0x1: {  	s0 =	srdreg.scid  }
0x2: {  	s1 =	sshll.u32 s0, $0x4  }
0x3: {  	s0 =	stileid.u32;
	s1 =	sand.u32 $0x10, s1  }
0x4: {  	s1 =	sor.u32 s0, s1  }
0x5: {  	s6 =	rddreg [dreg:$0x0];
	s4 =	simm.s32 $0x1;
	s2 =	sshll.u32 s1, $0x7  }
0x6: {  	s7 =	simm.s32 $0x2;
	s12 =	simm.s32 $0x0;
	s1 =	ssub.s32 $0x1000, s2  }
0x7: {  	s8 =	simm.s32 $0x8000;
	s13 =	simm.s32 $0x0;
	s3 =	sand.u32 $0xF80, s1  }
0x8: {  	s9 =	simm.s32 $0x0;
	s5 =	sshrl.u32 s1, $0xC;
	p0 =	sne.s32 s3, $0x0  }
.Ltmp0:
0x9: {  	s1 =	rddreg [dreg:$0x2];
	s4 =	simm.s32 @!p0 $0x0;
	(pc) =	sbr.rel .LBB1_1-.Ltmp0, $4  }
0xa: {  	s11 =	simm.s32 $0x0;
	s3 =	rddreg [dreg:$0x1];
	s5 =	sadd.s32 s4, s5  }
0xb: {  	_ =	strace $0x8000004A;
	s4 =	simm.s32 $0x1;
	s5 =	smul.u32 $0xC8, s5  }
0xc: {  	s6 =	sadd.s32 $0xC00, s6;
	s10 =	smov.u32 s2;
	[sflag:s4] =	ssyncpa.u1 $0x0  }
0xd: {  	p0 =	por $0x0, $0x0;
	[sflag:s7] =	ssyncpa.u1 $0x0;
	s7 =	sor.u32 $0x1, s5  }
.LBB1_4:
0xe: {  	s16 =	sshll.u32 s13, $0x3;
	s17 =	sand.u32 $0x78, s13  }
0xf: {  	s30 =	sand.u32 $0x7E00, s13;
	s12 =	sshll.u32 s12, $0xF;
	s16 =	sand.u32 $0xC00, s16  }
0x10: {  	[tilespmem:s15+$0x810 ss:$0x81] =	vst.msk $0xffff, v2;
	s31 =	sand.u32 $0x7, s13;
	s16 =	sor.u32 s17, s16;
	s17 =	sadd.s32 s3, s30  }
0x11: {  	[tilespmem:s15+$0x1020 ss:$0x81] =	vst.msk $0xffff, v0;
	s13 =	sshll.u32 s31, $0x12;
	s12 =	sadd.s32 s12, s17;
	s16 =	sshrl.u32 s16, $0x3  }
0x12: {  	[tilespmem:s15+$0x0 ss:$0x81] =	vst.msk $0xffff, v1;
	s13 =	sor.u32 $0x400, s13;
	s12 =	sadd.s32 s16, s12  }
0x13: {  	[hbm4b:s12+s13] =	stream.strided.scatter [tilespmem:s14], [sflag:$0x2], $0x2000, s8, s13, $0x20;
	[tilespmem:$0x8080] =	vst v63  }
.LBB1_5:
0x14: {  	s14 =	sadd.s32 $0x1, s9  }
0x15: {  	s12 =	sadd.s32 $0x1000, s10;
	s16 =	smov.u32 s10;
	p2 =	sgt.s32 s14, $0xC7  }
0x16: {  	s16 =	smov.u32 @p2 s12  }
0x17: {  	s14 =	simm.s32 @p2 $0x0;
	p2 =	sgt.s32 s16, $0xFFF  }
0x18: {  	s16 =	smov.u32 @p2 s2;
	p2 =	sne.s32 s11, s7  }
.Ltmp1:
0x19: {  	p1 =	slt.u32 s11, $0x2;
	(pc) =	sbr.rel @!p2 .LBB1_6-.Ltmp1, $4  }
0x1a: {  	s15 =	simm.s32 @!p1 $0x2  }
0x1b: {  	s13 =	smov.u32 s10;
	p0 =	por !p0, !p0;
	_ =	swait.ge @!p1 [sflag:s15], $0x2000  }
0x1c: {  	s12 =	smov.u32 s9;
	[sflag:s15] =	ssyncset.done @!p1 $0x0;
	s9 =	smov.u32 s14  }
0x1d: {  	s11 =	sadd.s32 $0x1, s11;
	[sflag:s15] =	ssyncadd.s32 @!p1 $0xFFFFE000;
	s10 =	smov.u32 s16  }
.LBB1_1:
0x1e: {  	p1 =	sge.u32 s11, s5  }
0x1f: {  	s14 =	sand.u32 @!p1 $0x1FFFFFF, s9  }
0x20: {  	s15 =	smulhi.u32 @!p1 $0x147AE15, s14;
	_ =	sdelay $0x1  }
0x21: {  	s15 =	smul.u32 @!p1 $0xC8, s15  }
0x22: {  	s16 =	sxor.u32 @!p1 $0xFFFFFFFF, s11;
	s17 =	smul.u32 @!p1 $0xC80, s10  }
0x23: {  	s31 =	sadd.s32 $0xFFFFFFFF, s11;
	s16 =	sshll.u32 @!p1 s16, $0xD;
	s14 =	ssub.s32 @!p1 s14, s15  }
0x24: {  	s15 =	sand.u32 @!p1 $0x2000, s16;
	s16 =	sadd.s32 @!p1 s6, s17;
	s14 =	sshll.u32 @!p1 s14, $0x4  }
0x25: {  	s17 =	simm.s32 @!p1 $0x6400;
	s14 =	sadd.s32 @!p1 s14, s16;
	s16 =	simm.s32 @!p1 $0x40  }
0x26: {  	[tilespmem:s15], [sflag:$0x1] =	stream.strided.gather @!p1 [hbm4b:s14+s16], $0x2000, s17, s16, $0x38;
	[tilespmem:$0x8080] =	vst v63  }
0x27: {  	p1 =	sge.u32 s31, s5  }
.Ltmp2:
0x28: {  	_ = 	snop;
	(pc) =	sbr.rel @p1 .LBB1_5-.Ltmp2, $1  }
0x29: {  	_ =	sdelay $0x3  }
0x2a: {  	s14 =	simm.s32 $0x1  }
0x2b: {  	_ =	swait.ge [sflag:s4], $0x2000;
	s14 =	simm.s32 @!p0 $0x0  }
0x2c: {  	[sflag:s4] =	ssyncset.done $0x0;
	s15 =	sshll.u32 s14, $0xD  }
0x2d: {  	[sflag:s4] =	ssyncadd.s32 $0xFFFFE000;
	s18 =	sor.u32 $0x20, s15  }
0x2e: {  	s14 =	smul.u32 $0x8100, s14;
	v3 =	vld [tilespmem:s18+$0x10]  }
0x2f: {  	s30 =	sand.u32 $0x1, s11;
	v2 =	vld [tilespmem:s18+$0xFFFFFFF0]  }
0x30: {  	s15 =	smul.u32 $0x8100, s30;
	s14 =	sshrl.u32 s14, $0x2;
	v0 =	vld [tilespmem:s18+$0x0]  }
0x31: {  	v1 =	vld [tilespmem:s18+$0xFFFFFFE0];
	s16 =	sor.u32 $0x4000, s14  }
0x32: {  	s31 =	sshrl.u32 s15, $0x2;
	s15 =	sadd.s32 $0x0, s16  }
0x33: {  	s17 =	simm.s32 $0x4;
	s18 =	sadd.s32 $0x40, s18;
	s14 =	sor.u32 $0x4000, s31;
	[tilespmem:s15+$0x1830 ss:$0x81] =	vst.msk $0xffff, v3  }
.LBB1_3:
0x34: {  	v3 =	vld [tilespmem:s18+$0x10];
	p1 =	sne.s32 s17, $0x1FC;
	[tilespmem:s15+$0x810 ss:$0x81] =	vst.msk $0xffff, v2;
	s19 =	smov.u32 s17;
	s17 =	sadd.s32 $0x4, s17  }
.Ltmp3:
0x35: {  	v2 =	vld [tilespmem:s18+$0xFFFFFFF0];
	[tilespmem:s15+$0x1020 ss:$0x81] =	vst.msk $0xffff, v0;
	(pc) =	sbr.rel @p1 .LBB1_3-.Ltmp3, $4  }
0x36: {  	v0 =	vld [tilespmem:s18+$0x0];
	[tilespmem:s15+$0x0 ss:$0x81] =	vst.msk $0xffff, v1  }
0x37: {  	s15 =	sshra.s32 s19, $0x2;
	v1 =	vld [tilespmem:s18+$0xFFFFFFE0]  }
0x38: {  	s15 =	sadd.s32 s15, s16  }
0x39: {  	s18 =	sadd.s32 $0x40, s18;
	[tilespmem:s15+$0x1830 ss:$0x81] =	vst.msk $0xffff, v3  }
.Ltmp4:
0x3a: {  	_ = 	snop;
	(pc) =	sbr.rel .LBB1_4-.Ltmp4, $1  }
0x3b: {  	_ =	sdelay $0x3  }
.LBB1_6:
0x3c: {  	_ =	sfence.sel $0x180000  }
0x3d: {  	s2 =	simm.s32 $0x1;
	[bflag:$0x0] =	sbarrier.arrive $0xFFFF  }
0x3e: {  	s31 =	simm.s32 $0x2;
	[sflag:s2] =	ssyncpa.u1 $0x1  }
0x3f: {  	[sflag:s31] =	ssyncpa.u1 $0x1  }
0x40: {  	p0 =	sne.s32 s0, $0x0;
	_ =	strace $0x9000004A  }
0x41: {  	s0 =	sadd.s32 @!p0 $0x100000, s1;
	[bflag:$0x2] =	sbarrier.arrive $0xFFFF  }
0x42: {  	[sflag:s0] =	ssyncadd.tile.s32 @!p0 $0x1;
	_ =	shalt  }
.Lfunc_end1:
_tile_overlayer_lowered:
.L_overlay_start_2:
0x43: {  	(tag) =	ssettag $0x2  }
0x44: {  	s0 =	rddreg [dreg:$0x0];
	s2 =	stileid.u32  }
0x45: {  	s1 =	rddreg [dreg:$0x1];
	p0 =	sne.s32 s2, $0x0  }
0x46: {  	s3 =	rddreg [dreg:$0x2];
	[bflag:$0x3] =	sbarrier.arrive $0xFFFF;
	s2 =	simm.s32 @!p0 $0x1C01  }
0x47: {  	[timem:s3], [sflag:s2] =	dma.local @!p0 [hbm:s0], s1  }
0x48: {  	s0 =	simm.s32 @!p0 $0x1  }
0x49: {  	_ =	swait.ge @!p0 [sflag:s0], s1  }
0x4a: {  	s1 =	ssub.s32 @!p0 $0x0, s1;
	[sflag:s0] =	ssyncset.done @!p0 $0x0  }
0x4b: {  	[sflag:s0] =	ssyncadd.s32 @!p0 s1  }
0x4c: {  	[bflag:$0x3] =	sbarrier.arrive $0xFFFF  }
0x4d: {  	_ =	shalt  }

</sc_bundles>
